<compile_context>
chip_gen: v7x
topology: tpu7x:2x2x1
jax: 0.10.2.dev20260603
libtpu: 0.0.44.dev20260713+nightly
codegen_flags: <defaults>
</compile_context>

<pallas_src>
import functools

import jax
import jax.numpy as jnp
from jax import lax
from jax.experimental import pallas as pl
from jax.experimental.pallas import tpu as pltpu
from jax.experimental.pallas import tpu_sc as plsc

BATCH = 16384
EMB = 64
NC = 2
NS = 16
NW = NC * NS
B_PER_W = BATCH // NW
IDX_CHUNK = 128
NK = B_PER_W // IDX_CHUNK


def _sc_gather_one(idx, tab_p):
    mesh = plsc.VectorSubcoreMesh(core_axis_name="c", subcore_axis_name="s")

    @functools.partial(
        pl.kernel,
        mesh=mesh,
        out_type=jax.ShapeDtypeStruct((BATCH, 2 * EMB), jnp.int32),
        scratch_types=[
            pltpu.VMEM((NK, IDX_CHUNK), jnp.int32),
            pltpu.VMEM((NK, IDX_CHUNK, 2 * EMB), jnp.int32),
            pltpu.SemaphoreType.DMA,
        ],
    )
    def gather_k(idx_hbm, tab_hbm, out_hbm, idx_v, rows_v, sem):
        wid = lax.axis_index("s") * NC + lax.axis_index("c")
        base = wid * B_PER_W
        for k in range(NK):
            pltpu.sync_copy(
                idx_hbm.at[pl.ds(base + k * IDX_CHUNK, IDX_CHUNK)],
                idx_v.at[k])
        copies = [
            pltpu.async_copy(tab_hbm.at[idx_v.at[k]], rows_v.at[k], sem)
            for k in range(NK)
        ]
        for c in copies:
            c.wait()
        for k in range(NK):
            pltpu.sync_copy(
                rows_v.at[k],
                out_hbm.at[pl.ds(base + k * IDX_CHUNK, IDX_CHUNK)])

    return gather_k(idx, tab_p)


PACK_BN = 57344


def _pack_body(t_ref, o_ref):
    ft = jnp.float32
    ident = (lax.broadcasted_iota(jnp.int32, (EMB, EMB), 0)
             == lax.broadcasted_iota(jnp.int32, (EMB, EMB), 1)
             ).astype(jnp.bfloat16)
    q = PACK_BN // 4
    dn = (((0,), (0,)), ((), ()))
    bits = []
    for k in range(4):
        xk = lax.dot_general(
            t_ref[:, k * q:(k + 1) * q].astype(jnp.bfloat16), ident, dn,
            preferred_element_type=ft)
        bits.append(lax.bitcast_convert_type(xk, jnp.int32))
    lo_mask = jnp.int32(0xffff)
    hi_mask = jnp.int32(-65536)
    left = (lax.shift_right_logical(bits[0], 16) & lo_mask) | (bits[1] & hi_mask)
    right = (lax.shift_right_logical(bits[2], 16) & lo_mask) | (bits[3] & hi_mask)
    o_ref[...] = jnp.concatenate([left, right], axis=1)


def _tc_pack(tab_t, n_rows):
    bn = PACK_BN
    grid = (n_rows + bn - 1) // bn
    return pl.pallas_call(
        _pack_body,
        grid=(grid,),
        in_specs=[pl.BlockSpec((EMB, bn), lambda i: (0, i))],
        out_specs=pl.BlockSpec((bn // 4, 2 * EMB), lambda i: (i, 0)),
        out_shape=jax.ShapeDtypeStruct((grid * (bn // 4), 2 * EMB),
                                       jnp.int32),
        compiler_params=pltpu.CompilerParams(vmem_limit_bytes=100 * 2**20),
    )(tab_t)


def _unpack_select(x_i32, pbm, phm):
    f32 = jnp.float32
    hi_mask = jnp.int32(-65536)
    left = x_i32[:, :EMB]
    right = x_i32[:, EMB:]
    lo_l = lax.bitcast_convert_type(lax.shift_left(left, 16), f32)
    hi_l = lax.bitcast_convert_type(left & hi_mask, f32)
    lo_r = lax.bitcast_convert_type(lax.shift_left(right, 16), f32)
    hi_r = lax.bitcast_convert_type(right & hi_mask, f32)
    ll = jnp.where(pbm, hi_l, lo_l)
    rr = jnp.where(pbm, hi_r, lo_r)
    return jnp.where(phm, rr, ll)


def _mlp_body(xu_ref, xm_ref, pp_ref, w1u_ref, w1m_ref, b1_ref,
              w2_ref, b2_ref, w3_ref, b3_ref, o_ref):
    f32 = jnp.float32
    bf = jnp.bfloat16
    dn_t = (((1,), (1,)), ((), ()))
    dn_k1 = (((1,), (0,)), ((), ()))
    sel = (lax.broadcasted_iota(jnp.int32, (4, 4 * EMB), 0)
           == lax.broadcasted_iota(jnp.int32, (4, 4 * EMB), 1) // EMB
           ).astype(f32)
    pall = lax.dot_general(pp_ref[...], sel, dn_k1,
                           preferred_element_type=f32) > 0.5
    u = _unpack_select(xu_ref[...], pall[:, :EMB],
                       pall[:, EMB:2 * EMB]).astype(bf)
    m = _unpack_select(xm_ref[...], pall[:, 2 * EMB:3 * EMB],
                       pall[:, 3 * EMB:]).astype(bf)
    x = lax.dot_general(u, w1u_ref[...].astype(bf), dn_t,
                        preferred_element_type=f32)
    x = x + lax.dot_general(m, w1m_ref[...].astype(bf), dn_t,
                            preferred_element_type=f32)
    x = jnp.maximum(x + b1_ref[...], 0.0).astype(bf)
    y = lax.dot_general(x, w2_ref[...].astype(bf), dn_t,
                        preferred_element_type=f32)
    y = jnp.maximum(y + b2_ref[...], 0.0)
    z = jnp.sum(y * w3_ref[...], axis=1, keepdims=True)
    o_ref[...] = z + b3_ref[0, 0]


def _tc_mlp(xu, xm, pp, W1, b1, W2, b2, W3, b3, bs=4096):
    W1u = W1[:, :EMB]
    W1m = W1[:, EMB:]
    grid = BATCH // bs
    full = lambda i: (0, 0)
    row = lambda i: (i, 0)
    out = pl.pallas_call(
        _mlp_body,
        grid=(grid,),
        in_specs=[
            pl.BlockSpec((bs, 2 * EMB), row),
            pl.BlockSpec((bs, 2 * EMB), row),
            pl.BlockSpec((bs, 4), row),
            pl.BlockSpec(W1u.shape, full),
            pl.BlockSpec(W1m.shape, full),
            pl.BlockSpec((1, 128), full),
            pl.BlockSpec(W2.shape, full),
            pl.BlockSpec((1, 64), full),
            pl.BlockSpec(W3.shape, full),
            pl.BlockSpec((1, 1), full),
        ],
        out_specs=pl.BlockSpec((bs, 1), row),
        out_shape=jax.ShapeDtypeStruct((BATCH, 1), jnp.float32),
        compiler_params=pltpu.CompilerParams(vmem_limit_bytes=100 * 2**20),
    )(xu, xm, pp, W1u, W1m, b1.reshape(1, 128), W2, b2.reshape(1, 64),
      W3, b3.reshape(1, 1))
    return out


def kernel(user_idx, movie_idx, user_emb, movie_emb, W1, b1, W2, b2, W3, b3):
    ui = user_idx.astype(jnp.int32)
    mi = movie_idx.astype(jnp.int32)
    bn = PACK_BN
    q = bn // 4
    uc = ui % bn
    mc = mi % bn
    u_half = (ui // bn) * q + uc % q
    m_half = (mi // bn) * q + mc % q
    uq = uc // q
    mq = mc // q
    pp = jnp.stack([(uq & 1).astype(jnp.float32),
                    (uq >> 1).astype(jnp.float32),
                    (mq & 1).astype(jnp.float32),
                    (mq >> 1).astype(jnp.float32)], axis=1)
    mtab_p = _tc_pack(movie_emb.T, movie_emb.shape[0])
    xm = _sc_gather_one(m_half, mtab_p)
    utab_p = _tc_pack(user_emb.T, user_emb.shape[0])
    xu = _sc_gather_one(u_half, utab_p)
    return _tc_mlp(xu, xm, pp, W1, b1, W2, b2, W3, b3)

# --- scband reference (transcript-rebuilt; emitter-appended) ---
"""Pipeline reference for scband-movie-recommender-19825569038869 (READ-ONLY COPY).

The authoritative reference and input builder live on the scoring server;
editing this copy changes nothing except your own understanding.
"""

import jax, jax.numpy as jnp
import numpy as np

NUM_USERS = 1000000
NUM_MOVIES = 100000
EMB = 64
BATCH = 16384

def setup_inputs(seed: int = 0) -> dict:
    key = jax.random.key(seed)
    ks = jax.random.split(key, 10)
    user_idx = jax.random.randint(ks[0], (BATCH,), 0, NUM_USERS, dtype=jnp.int64 if jax.config.jax_enable_x64 else jnp.int32)
    movie_idx = jax.random.randint(ks[1], (BATCH,), 0, NUM_MOVIES, dtype=jnp.int64 if jax.config.jax_enable_x64 else jnp.int32)
    user_emb = jax.random.normal(ks[2], (NUM_USERS, EMB), dtype=jnp.float32)
    movie_emb = jax.random.normal(ks[3], (NUM_MOVIES, EMB), dtype=jnp.float32)
    W1 = jax.random.normal(ks[4], (128, EMB * 2), dtype=jnp.float32) * (1.0 / np.sqrt(EMB * 2))
    b1 = jnp.zeros((128,), dtype=jnp.float32)
    W2 = jax.random.normal(ks[5], (64, 128), dtype=jnp.float32) * (1.0 / np.sqrt(128))
    b2 = jnp.zeros((64,), dtype=jnp.float32)
    W3 = jax.random.normal(ks[6], (1, 64), dtype=jnp.float32) * (1.0 / np.sqrt(64))
    b3 = jnp.zeros((1,), dtype=jnp.float32)
    return {"user_idx": user_idx, "movie_idx": movie_idx, "user_emb": user_emb, "movie_emb": movie_emb, "W1": W1, "b1": b1, "W2": W2, "b2": b2, "W3": W3, "b3": b3}

def reference(user_idx, movie_idx, user_emb, movie_emb, W1, b1, W2, b2, W3, b3):
    u = jnp.take(user_emb, user_idx, axis=0)
    m = jnp.take(movie_emb, movie_idx, axis=0)
    x = jnp.concatenate([u, m], axis=1)
    x = jax.nn.relu(x @ W1.T + b1)
    # dropout is identity in eval mode
    x = jax.nn.relu(x @ W2.T + b2)
    return x @ W3.T + b3

if __name__ == "__main__":
    import jax
    _d = setup_inputs()
    print(jax.jit(kernel)(*tuple(_d.values())))

</pallas_src>

<mosaic_0001>
#map = affine_map<(d0, d1) -> (0)>
#map1 = affine_map<(d0, d1) -> (0, 0)>
module attributes {stable_mosaic.version = 14 : i64} {
  func.func @gather_k(%arg0: i32, %arg1: i32, %arg2: memref<16384xi32, #tpu.memory_space<hbm>>, %arg3: memref<28672x128xi32, #tpu.memory_space<hbm>>, %arg4: memref<16384x128xi32, #tpu.memory_space<hbm>>, %arg5: memref<4x128xi32, #tpu.memory_space<vmem>>, %arg6: memref<4x128x128xi32, #tpu.memory_space<vmem>>, %arg7: memref<!tpu.dma_semaphore, #tpu.memory_space<semaphore_mem>>) attributes {dimension_semantics = [#tpu.dimension_semantics<core_parallel>, #tpu.dimension_semantics<subcore_parallel>], iteration_bounds = array<i64: 2, 16>, scalar_prefetch = 0 : i64, scratch_operands = 3 : i64, tpu.core_type = #tpu.core_type<sc_vector_subcore>, window_params = [{transform_indices = #map}, {transform_indices = #map1}, {transform_indices = #map1}]} {
    %mul3A = arith.constant 2 : i32
    %mul3A_0 = arith.muli %arg1, %mul3A : i32
    %add3A = arith.addi %mul3A_0, %arg0 : i32
    %mul3A_1 = arith.constant 512 : i32
    %mul3A_2 = arith.muli %add3A, %mul3A_1 : i32
    %add3A_3 = arith.constant 0 : i32
    %add3A_4 = arith.addi %mul3A_2, %add3A_3 : i32
    %run_scoped3A = arith.constant 0 : i32
    "tpu.region"() ({
      %run_scoped3A_120 = tpu.sem_alloc : memref<!tpu.dma_semaphore, #tpu.memory_space<semaphore_mem>>
      %dma_start3A_121 = arith.constant 0 : i32
      %dma_start3A_122 = tpu.memref_slice %arg5[%run_scoped3A, %dma_start3A_121] : memref<4x128xi32, #tpu.memory_space<vmem>> -> memref<1x128xi32, #tpu.memory_space<vmem>>
      %dma_start3A_123 = tpu.memref_squeeze %dma_start3A_122 : memref<1x128xi32, #tpu.memory_space<vmem>> -> memref<128xi32, #tpu.memory_space<vmem>>
      %dma_start3A_124 = tpu.memref_slice %arg2[%add3A_4] : memref<16384xi32, #tpu.memory_space<hbm>> -> memref<128xi32, #tpu.memory_space<hbm>>
      %dma_start3A_125 = arith.constant 0 : i32
      %dma_start3A_126 = tpu.memref_slice %arg5[%run_scoped3A, %dma_start3A_125] : memref<4x128xi32, #tpu.memory_space<vmem>> -> memref<1x128xi32, #tpu.memory_space<vmem>>
      %dma_start3A_127 = tpu.memref_squeeze %dma_start3A_126 : memref<1x128xi32, #tpu.memory_space<vmem>> -> memref<128xi32, #tpu.memory_space<vmem>>
      %dma_start3A_128 = tpu.memref_slice %arg2[%add3A_4] : memref<16384xi32, #tpu.memory_space<hbm>> -> memref<128xi32, #tpu.memory_space<hbm>>
      tpu.enqueue_dma source(%dma_start3A_128 : memref<128xi32, #tpu.memory_space<hbm>>) target(%dma_start3A_127 : memref<128xi32, #tpu.memory_space<vmem>>) target_semaphore(%run_scoped3A_120 : memref<!tpu.dma_semaphore, #tpu.memory_space<semaphore_mem>>)
      %dma_wait3A_129 = arith.constant 0 : i32
      %dma_wait3A_130 = tpu.memref_slice %arg5[%run_scoped3A, %dma_wait3A_129] : memref<4x128xi32, #tpu.memory_space<vmem>> -> memref<1x128xi32, #tpu.memory_space<vmem>>
      %dma_wait3A_131 = tpu.memref_squeeze %dma_wait3A_130 : memref<1x128xi32, #tpu.memory_space<vmem>> -> memref<128xi32, #tpu.memory_space<vmem>>
      %dma_wait3A_132 = tpu.memref_slice %arg2[%add3A_4] : memref<16384xi32, #tpu.memory_space<hbm>> -> memref<128xi32, #tpu.memory_space<hbm>>
      %dma_wait3A_133 = arith.constant 0 : i32
      %dma_wait3A_134 = tpu.memref_slice %arg5[%run_scoped3A, %dma_wait3A_133] : memref<4x128xi32, #tpu.memory_space<vmem>> -> memref<1x128xi32, #tpu.memory_space<vmem>>
      %dma_wait3A_135 = tpu.memref_squeeze %dma_wait3A_134 : memref<1x128xi32, #tpu.memory_space<vmem>> -> memref<128xi32, #tpu.memory_space<vmem>>
      %dma_wait3A_136 = tpu.memref_slice %arg2[%add3A_4] : memref<16384xi32, #tpu.memory_space<hbm>> -> memref<128xi32, #tpu.memory_space<hbm>>
      tpu.wait_dma2 semaphore(%run_scoped3A_120 : memref<!tpu.dma_semaphore, #tpu.memory_space<semaphore_mem>>) src(%dma_wait3A_136 : memref<128xi32, #tpu.memory_space<hbm>>) dst(%dma_wait3A_135 : memref<128xi32, #tpu.memory_space<vmem>>)
      tpu.yield
    }) : () -> ()
    %add3A_5 = arith.constant 128 : i32
    %add3A_6 = arith.addi %mul3A_2, %add3A_5 : i32
    %run_scoped3A_7 = arith.constant 1 : i32
    "tpu.region"() ({
      %run_scoped3A_120 = tpu.sem_alloc : memref<!tpu.dma_semaphore, #tpu.memory_space<semaphore_mem>>
      %dma_start3A_121 = arith.constant 0 : i32
      %dma_start3A_122 = tpu.memref_slice %arg5[%run_scoped3A_7, %dma_start3A_121] : memref<4x128xi32, #tpu.memory_space<vmem>> -> memref<1x128xi32, #tpu.memory_space<vmem>>
      %dma_start3A_123 = tpu.memref_squeeze %dma_start3A_122 : memref<1x128xi32, #tpu.memory_space<vmem>> -> memref<128xi32, #tpu.memory_space<vmem>>
      %dma_start3A_124 = tpu.memref_slice %arg2[%add3A_6] : memref<16384xi32, #tpu.memory_space<hbm>> -> memref<128xi32, #tpu.memory_space<hbm>>
      %dma_start3A_125 = arith.constant 0 : i32
      %dma_start3A_126 = tpu.memref_slice %arg5[%run_scoped3A_7, %dma_start3A_125] : memref<4x128xi32, #tpu.memory_space<vmem>> -> memref<1x128xi32, #tpu.memory_space<vmem>>
      %dma_start3A_127 = tpu.memref_squeeze %dma_start3A_126 : memref<1x128xi32, #tpu.memory_space<vmem>> -> memref<128xi32, #tpu.memory_space<vmem>>
      %dma_start3A_128 = tpu.memref_slice %arg2[%add3A_6] : memref<16384xi32, #tpu.memory_space<hbm>> -> memref<128xi32, #tpu.memory_space<hbm>>
      tpu.enqueue_dma source(%dma_start3A_128 : memref<128xi32, #tpu.memory_space<hbm>>) target(%dma_start3A_127 : memref<128xi32, #tpu.memory_space<vmem>>) target_semaphore(%run_scoped3A_120 : memref<!tpu.dma_semaphore, #tpu.memory_space<semaphore_mem>>)
      %dma_wait3A_129 = arith.constant 0 : i32
      %dma_wait3A_130 = tpu.memref_slice %arg5[%run_scoped3A_7, %dma_wait3A_129] : memref<4x128xi32, #tpu.memory_space<vmem>> -> memref<1x128xi32, #tpu.memory_space<vmem>>
      %dma_wait3A_131 = tpu.memref_squeeze %dma_wait3A_130 : memref<1x128xi32, #tpu.memory_space<vmem>> -> memref<128xi32, #tpu.memory_space<vmem>>
      %dma_wait3A_132 = tpu.memref_slice %arg2[%add3A_6] : memref<16384xi32, #tpu.memory_space<hbm>> -> memref<128xi32, #tpu.memory_space<hbm>>
      %dma_wait3A_133 = arith.constant 0 : i32
      %dma_wait3A_134 = tpu.memref_slice %arg5[%run_scoped3A_7, %dma_wait3A_133] : memref<4x128xi32, #tpu.memory_space<vmem>> -> memref<1x128xi32, #tpu.memory_space<vmem>>
      %dma_wait3A_135 = tpu.memref_squeeze %dma_wait3A_134 : memref<1x128xi32, #tpu.memory_space<vmem>> -> memref<128xi32, #tpu.memory_space<vmem>>
      %dma_wait3A_136 = tpu.memref_slice %arg2[%add3A_6] : memref<16384xi32, #tpu.memory_space<hbm>> -> memref<128xi32, #tpu.memory_space<hbm>>
      tpu.wait_dma2 semaphore(%run_scoped3A_120 : memref<!tpu.dma_semaphore, #tpu.memory_space<semaphore_mem>>) src(%dma_wait3A_136 : memref<128xi32, #tpu.memory_space<hbm>>) dst(%dma_wait3A_135 : memref<128xi32, #tpu.memory_space<vmem>>)
      tpu.yield
    }) : () -> ()
    %add3A_8 = arith.constant 256 : i32
    %add3A_9 = arith.addi %mul3A_2, %add3A_8 : i32
    %run_scoped3A_10 = arith.constant 2 : i32
    "tpu.region"() ({
      %run_scoped3A_120 = tpu.sem_alloc : memref<!tpu.dma_semaphore, #tpu.memory_space<semaphore_mem>>
      %dma_start3A_121 = arith.constant 0 : i32
      %dma_start3A_122 = tpu.memref_slice %arg5[%run_scoped3A_10, %dma_start3A_121] : memref<4x128xi32, #tpu.memory_space<vmem>> -> memref<1x128xi32, #tpu.memory_space<vmem>>
      %dma_start3A_123 = tpu.memref_squeeze %dma_start3A_122 : memref<1x128xi32, #tpu.memory_space<vmem>> -> memref<128xi32, #tpu.memory_space<vmem>>
      %dma_start3A_124 = tpu.memref_slice %arg2[%add3A_9] : memref<16384xi32, #tpu.memory_space<hbm>> -> memref<128xi32, #tpu.memory_space<hbm>>
      %dma_start3A_125 = arith.constant 0 : i32
      %dma_start3A_126 = tpu.memref_slice %arg5[%run_scoped3A_10, %dma_start3A_125] : memref<4x128xi32, #tpu.memory_space<vmem>> -> memref<1x128xi32, #tpu.memory_space<vmem>>
      %dma_start3A_127 = tpu.memref_squeeze %dma_start3A_126 : memref<1x128xi32, #tpu.memory_space<vmem>> -> memref<128xi32, #tpu.memory_space<vmem>>
      %dma_start3A_128 = tpu.memref_slice %arg2[%add3A_9] : memref<16384xi32, #tpu.memory_space<hbm>> -> memref<128xi32, #tpu.memory_space<hbm>>
      tpu.enqueue_dma source(%dma_start3A_128 : memref<128xi32, #tpu.memory_space<hbm>>) target(%dma_start3A_127 : memref<128xi32, #tpu.memory_space<vmem>>) target_semaphore(%run_scoped3A_120 : memref<!tpu.dma_semaphore, #tpu.memory_space<semaphore_mem>>)
      %dma_wait3A_129 = arith.constant 0 : i32
      %dma_wait3A_130 = tpu.memref_slice %arg5[%run_scoped3A_10, %dma_wait3A_129] : memref<4x128xi32, #tpu.memory_space<vmem>> -> memref<1x128xi32, #tpu.memory_space<vmem>>
      %dma_wait3A_131 = tpu.memref_squeeze %dma_wait3A_130 : memref<1x128xi32, #tpu.memory_space<vmem>> -> memref<128xi32, #tpu.memory_space<vmem>>
      %dma_wait3A_132 = tpu.memref_slice %arg2[%add3A_9] : memref<16384xi32, #tpu.memory_space<hbm>> -> memref<128xi32, #tpu.memory_space<hbm>>
      %dma_wait3A_133 = arith.constant 0 : i32
      %dma_wait3A_134 = tpu.memref_slice %arg5[%run_scoped3A_10, %dma_wait3A_133] : memref<4x128xi32, #tpu.memory_space<vmem>> -> memref<1x128xi32, #tpu.memory_space<vmem>>
      %dma_wait3A_135 = tpu.memref_squeeze %dma_wait3A_134 : memref<1x128xi32, #tpu.memory_space<vmem>> -> memref<128xi32, #tpu.memory_space<vmem>>
      %dma_wait3A_136 = tpu.memref_slice %arg2[%add3A_9] : memref<16384xi32, #tpu.memory_space<hbm>> -> memref<128xi32, #tpu.memory_space<hbm>>
      tpu.wait_dma2 semaphore(%run_scoped3A_120 : memref<!tpu.dma_semaphore, #tpu.memory_space<semaphore_mem>>) src(%dma_wait3A_136 : memref<128xi32, #tpu.memory_space<hbm>>) dst(%dma_wait3A_135 : memref<128xi32, #tpu.memory_space<vmem>>)
      tpu.yield
    }) : () -> ()
    %add3A_11 = arith.constant 384 : i32
    %add3A_12 = arith.addi %mul3A_2, %add3A_11 : i32
    %run_scoped3A_13 = arith.constant 3 : i32
    "tpu.region"() ({
      %run_scoped3A_120 = tpu.sem_alloc : memref<!tpu.dma_semaphore, #tpu.memory_space<semaphore_mem>>
      %dma_start3A_121 = arith.constant 0 : i32
      %dma_start3A_122 = tpu.memref_slice %arg5[%run_scoped3A_13, %dma_start3A_121] : memref<4x128xi32, #tpu.memory_space<vmem>> -> memref<1x128xi32, #tpu.memory_space<vmem>>
      %dma_start3A_123 = tpu.memref_squeeze %dma_start3A_122 : memref<1x128xi32, #tpu.memory_space<vmem>> -> memref<128xi32, #tpu.memory_space<vmem>>
      %dma_start3A_124 = tpu.memref_slice %arg2[%add3A_12] : memref<16384xi32, #tpu.memory_space<hbm>> -> memref<128xi32, #tpu.memory_space<hbm>>
      %dma_start3A_125 = arith.constant 0 : i32
      %dma_start3A_126 = tpu.memref_slice %arg5[%run_scoped3A_13, %dma_start3A_125] : memref<4x128xi32, #tpu.memory_space<vmem>> -> memref<1x128xi32, #tpu.memory_space<vmem>>
      %dma_start3A_127 = tpu.memref_squeeze %dma_start3A_126 : memref<1x128xi32, #tpu.memory_space<vmem>> -> memref<128xi32, #tpu.memory_space<vmem>>
      %dma_start3A_128 = tpu.memref_slice %arg2[%add3A_12] : memref<16384xi32, #tpu.memory_space<hbm>> -> memref<128xi32, #tpu.memory_space<hbm>>
      tpu.enqueue_dma source(%dma_start3A_128 : memref<128xi32, #tpu.memory_space<hbm>>) target(%dma_start3A_127 : memref<128xi32, #tpu.memory_space<vmem>>) target_semaphore(%run_scoped3A_120 : memref<!tpu.dma_semaphore, #tpu.memory_space<semaphore_mem>>)
      %dma_wait3A_129 = arith.constant 0 : i32
      %dma_wait3A_130 = tpu.memref_slice %arg5[%run_scoped3A_13, %dma_wait3A_129] : memref<4x128xi32, #tpu.memory_space<vmem>> -> memref<1x128xi32, #tpu.memory_space<vmem>>
      %dma_wait3A_131 = tpu.memref_squeeze %dma_wait3A_130 : memref<1x128xi32, #tpu.memory_space<vmem>> -> memref<128xi32, #tpu.memory_space<vmem>>
      %dma_wait3A_132 = tpu.memref_slice %arg2[%add3A_12] : memref<16384xi32, #tpu.memory_space<hbm>> -> memref<128xi32, #tpu.memory_space<hbm>>
      %dma_wait3A_133 = arith.constant 0 : i32
      %dma_wait3A_134 = tpu.memref_slice %arg5[%run_scoped3A_13, %dma_wait3A_133] : memref<4x128xi32, #tpu.memory_space<vmem>> -> memref<1x128xi32, #tpu.memory_space<vmem>>
      %dma_wait3A_135 = tpu.memref_squeeze %dma_wait3A_134 : memref<1x128xi32, #tpu.memory_space<vmem>> -> memref<128xi32, #tpu.memory_space<vmem>>
      %dma_wait3A_136 = tpu.memref_slice %arg2[%add3A_12] : memref<16384xi32, #tpu.memory_space<hbm>> -> memref<128xi32, #tpu.memory_space<hbm>>
      tpu.wait_dma2 semaphore(%run_scoped3A_120 : memref<!tpu.dma_semaphore, #tpu.memory_space<semaphore_mem>>) src(%dma_wait3A_136 : memref<128xi32, #tpu.memory_space<hbm>>) dst(%dma_wait3A_135 : memref<128xi32, #tpu.memory_space<vmem>>)
      tpu.yield
    }) : () -> ()
    %dma_start3A = arith.constant 0 : i32
    %dma_start3A_14 = arith.constant 0 : i32
    %dma_start3A_15 = arith.constant 0 : i32
    %dma_start3A_16 = arith.constant 0 : i32
    %dma_start3A_17 = tpu.memref_slice %arg6[%dma_start3A_14, %dma_start3A_15, %dma_start3A_16] : memref<4x128x128xi32, #tpu.memory_space<vmem>> -> memref<1x128x128xi32, #tpu.memory_space<vmem>>
    %dma_start3A_18 = tpu.memref_squeeze %dma_start3A_17 : memref<1x128x128xi32, #tpu.memory_space<vmem>> -> memref<128x128xi32, #tpu.memory_space<vmem>>
    %dma_start3A_19 = arith.constant 0 : i32
    %dma_start3A_20 = tpu.memref_slice %arg5[%dma_start3A, %dma_start3A_19] : memref<4x128xi32, #tpu.memory_space<vmem>> -> memref<1x128xi32, #tpu.memory_space<vmem>>
    %dma_start3A_21 = tpu.memref_squeeze %dma_start3A_20 : memref<1x128xi32, #tpu.memory_space<vmem>> -> memref<128xi32, #tpu.memory_space<vmem>>
    %dma_start3A_22 = arith.constant 0 : i32
    %dma_start3A_23 = arith.constant 0 : i32
    %dma_start3A_24 = tpu.memref_slice %arg3[%dma_start3A_22, %dma_start3A_23] : memref<28672x128xi32, #tpu.memory_space<hbm>> -> memref<28672x128xi32, #tpu.memory_space<hbm>>
    tpu.enqueue_indirect_dma source(%dma_start3A_24 : memref<28672x128xi32, #tpu.memory_space<hbm>>) target(%dma_start3A_18 : memref<128x128xi32, #tpu.memory_space<vmem>>) offsets(%dma_start3A_21 : memref<128xi32, #tpu.memory_space<vmem>>) semaphore(%arg7 : memref<!tpu.dma_semaphore, #tpu.memory_space<semaphore_mem>>)
    %dma_start3A_25 = arith.constant 1 : i32
    %dma_start3A_26 = arith.constant 1 : i32
    %dma_start3A_27 = arith.constant 0 : i32
    %dma_start3A_28 = arith.constant 0 : i32
    %dma_start3A_29 = tpu.memref_slice %arg6[%dma_start3A_26, %dma_start3A_27, %dma_start3A_28] : memref<4x128x128xi32, #tpu.memory_space<vmem>> -> memref<1x128x128xi32, #tpu.memory_space<vmem>>
    %dma_start3A_30 = tpu.memref_squeeze %dma_start3A_29 : memref<1x128x128xi32, #tpu.memory_space<vmem>> -> memref<128x128xi32, #tpu.memory_space<vmem>>
    %dma_start3A_31 = arith.constant 0 : i32
    %dma_start3A_32 = tpu.memref_slice %arg5[%dma_start3A_25, %dma_start3A_31] : memref<4x128xi32, #tpu.memory_space<vmem>> -> memref<1x128xi32, #tpu.memory_space<vmem>>
    %dma_start3A_33 = tpu.memref_squeeze %dma_start3A_32 : memref<1x128xi32, #tpu.memory_space<vmem>> -> memref<128xi32, #tpu.memory_space<vmem>>
    %dma_start3A_34 = arith.constant 0 : i32
    %dma_start3A_35 = arith.constant 0 : i32
    %dma_start3A_36 = tpu.memref_slice %arg3[%dma_start3A_34, %dma_start3A_35] : memref<28672x128xi32, #tpu.memory_space<hbm>> -> memref<28672x128xi32, #tpu.memory_space<hbm>>
    tpu.enqueue_indirect_dma source(%dma_start3A_36 : memref<28672x128xi32, #tpu.memory_space<hbm>>) target(%dma_start3A_30 : memref<128x128xi32, #tpu.memory_space<vmem>>) offsets(%dma_start3A_33 : memref<128xi32, #tpu.memory_space<vmem>>) semaphore(%arg7 : memref<!tpu.dma_semaphore, #tpu.memory_space<semaphore_mem>>)
    %dma_start3A_37 = arith.constant 2 : i32
    %dma_start3A_38 = arith.constant 2 : i32
    %dma_start3A_39 = arith.constant 0 : i32
    %dma_start3A_40 = arith.constant 0 : i32
    %dma_start3A_41 = tpu.memref_slice %arg6[%dma_start3A_38, %dma_start3A_39, %dma_start3A_40] : memref<4x128x128xi32, #tpu.memory_space<vmem>> -> memref<1x128x128xi32, #tpu.memory_space<vmem>>
    %dma_start3A_42 = tpu.memref_squeeze %dma_start3A_41 : memref<1x128x128xi32, #tpu.memory_space<vmem>> -> memref<128x128xi32, #tpu.memory_space<vmem>>
    %dma_start3A_43 = arith.constant 0 : i32
    %dma_start3A_44 = tpu.memref_slice %arg5[%dma_start3A_37, %dma_start3A_43] : memref<4x128xi32, #tpu.memory_space<vmem>> -> memref<1x128xi32, #tpu.memory_space<vmem>>
    %dma_start3A_45 = tpu.memref_squeeze %dma_start3A_44 : memref<1x128xi32, #tpu.memory_space<vmem>> -> memref<128xi32, #tpu.memory_space<vmem>>
    %dma_start3A_46 = arith.constant 0 : i32
    %dma_start3A_47 = arith.constant 0 : i32
    %dma_start3A_48 = tpu.memref_slice %arg3[%dma_start3A_46, %dma_start3A_47] : memref<28672x128xi32, #tpu.memory_space<hbm>> -> memref<28672x128xi32, #tpu.memory_space<hbm>>
    tpu.enqueue_indirect_dma source(%dma_start3A_48 : memref<28672x128xi32, #tpu.memory_space<hbm>>) target(%dma_start3A_42 : memref<128x128xi32, #tpu.memory_space<vmem>>) offsets(%dma_start3A_45 : memref<128xi32, #tpu.memory_space<vmem>>) semaphore(%arg7 : memref<!tpu.dma_semaphore, #tpu.memory_space<semaphore_mem>>)
    %dma_start3A_49 = arith.constant 3 : i32
    %dma_start3A_50 = arith.constant 3 : i32
    %dma_start3A_51 = arith.constant 0 : i32
    %dma_start3A_52 = arith.constant 0 : i32
    %dma_start3A_53 = tpu.memref_slice %arg6[%dma_start3A_50, %dma_start3A_51, %dma_start3A_52] : memref<4x128x128xi32, #tpu.memory_space<vmem>> -> memref<1x128x128xi32, #tpu.memory_space<vmem>>
    %dma_start3A_54 = tpu.memref_squeeze %dma_start3A_53 : memref<1x128x128xi32, #tpu.memory_space<vmem>> -> memref<128x128xi32, #tpu.memory_space<vmem>>
    %dma_start3A_55 = arith.constant 0 : i32
    %dma_start3A_56 = tpu.memref_slice %arg5[%dma_start3A_49, %dma_start3A_55] : memref<4x128xi32, #tpu.memory_space<vmem>> -> memref<1x128xi32, #tpu.memory_space<vmem>>
    %dma_start3A_57 = tpu.memref_squeeze %dma_start3A_56 : memref<1x128xi32, #tpu.memory_space<vmem>> -> memref<128xi32, #tpu.memory_space<vmem>>
    %dma_start3A_58 = arith.constant 0 : i32
    %dma_start3A_59 = arith.constant 0 : i32
    %dma_start3A_60 = tpu.memref_slice %arg3[%dma_start3A_58, %dma_start3A_59] : memref<28672x128xi32, #tpu.memory_space<hbm>> -> memref<28672x128xi32, #tpu.memory_space<hbm>>
    tpu.enqueue_indirect_dma source(%dma_start3A_60 : memref<28672x128xi32, #tpu.memory_space<hbm>>) target(%dma_start3A_54 : memref<128x128xi32, #tpu.memory_space<vmem>>) offsets(%dma_start3A_57 : memref<128xi32, #tpu.memory_space<vmem>>) semaphore(%arg7 : memref<!tpu.dma_semaphore, #tpu.memory_space<semaphore_mem>>)
    %dma_wait3A = arith.constant 0 : i32
    %dma_wait3A_61 = arith.constant 0 : i32
    %dma_wait3A_62 = arith.constant 0 : i32
    %dma_wait3A_63 = arith.constant 0 : i32
    %dma_wait3A_64 = tpu.memref_slice %arg6[%dma_wait3A_61, %dma_wait3A_62, %dma_wait3A_63] : memref<4x128x128xi32, #tpu.memory_space<vmem>> -> memref<1x128x128xi32, #tpu.memory_space<vmem>>
    %dma_wait3A_65 = tpu.memref_squeeze %dma_wait3A_64 : memref<1x128x128xi32, #tpu.memory_space<vmem>> -> memref<128x128xi32, #tpu.memory_space<vmem>>
    %dma_wait3A_66 = arith.constant 0 : i32
    %dma_wait3A_67 = tpu.memref_slice %arg5[%dma_wait3A, %dma_wait3A_66] : memref<4x128xi32, #tpu.memory_space<vmem>> -> memref<1x128xi32, #tpu.memory_space<vmem>>
    %dma_wait3A_68 = tpu.memref_squeeze %dma_wait3A_67 : memref<1x128xi32, #tpu.memory_space<vmem>> -> memref<128xi32, #tpu.memory_space<vmem>>
    %dma_wait3A_69 = arith.constant 0 : i32
    %dma_wait3A_70 = arith.constant 0 : i32
    %dma_wait3A_71 = tpu.memref_slice %arg3[%dma_wait3A_69, %dma_wait3A_70] : memref<28672x128xi32, #tpu.memory_space<hbm>> -> memref<28672x128xi32, #tpu.memory_space<hbm>>
    tpu.wait_indirect_dma semaphore(%arg7 : memref<!tpu.dma_semaphore, #tpu.memory_space<semaphore_mem>>) src(%dma_wait3A_71 : memref<28672x128xi32, #tpu.memory_space<hbm>>) dst(%dma_wait3A_65 : memref<128x128xi32, #tpu.memory_space<vmem>>)
    %dma_wait3A_72 = arith.constant 1 : i32
    %dma_wait3A_73 = arith.constant 1 : i32
    %dma_wait3A_74 = arith.constant 0 : i32
    %dma_wait3A_75 = arith.constant 0 : i32
    %dma_wait3A_76 = tpu.memref_slice %arg6[%dma_wait3A_73, %dma_wait3A_74, %dma_wait3A_75] : memref<4x128x128xi32, #tpu.memory_space<vmem>> -> memref<1x128x128xi32, #tpu.memory_space<vmem>>
    %dma_wait3A_77 = tpu.memref_squeeze %dma_wait3A_76 : memref<1x128x128xi32, #tpu.memory_space<vmem>> -> memref<128x128xi32, #tpu.memory_space<vmem>>
    %dma_wait3A_78 = arith.constant 0 : i32
    %dma_wait3A_79 = tpu.memref_slice %arg5[%dma_wait3A_72, %dma_wait3A_78] : memref<4x128xi32, #tpu.memory_space<vmem>> -> memref<1x128xi32, #tpu.memory_space<vmem>>
    %dma_wait3A_80 = tpu.memref_squeeze %dma_wait3A_79 : memref<1x128xi32, #tpu.memory_space<vmem>> -> memref<128xi32, #tpu.memory_space<vmem>>
    %dma_wait3A_81 = arith.constant 0 : i32
    %dma_wait3A_82 = arith.constant 0 : i32
    %dma_wait3A_83 = tpu.memref_slice %arg3[%dma_wait3A_81, %dma_wait3A_82] : memref<28672x128xi32, #tpu.memory_space<hbm>> -> memref<28672x128xi32, #tpu.memory_space<hbm>>
    tpu.wait_indirect_dma semaphore(%arg7 : memref<!tpu.dma_semaphore, #tpu.memory_space<semaphore_mem>>) src(%dma_wait3A_83 : memref<28672x128xi32, #tpu.memory_space<hbm>>) dst(%dma_wait3A_77 : memref<128x128xi32, #tpu.memory_space<vmem>>)
    %dma_wait3A_84 = arith.constant 2 : i32
    %dma_wait3A_85 = arith.constant 2 : i32
    %dma_wait3A_86 = arith.constant 0 : i32
    %dma_wait3A_87 = arith.constant 0 : i32
    %dma_wait3A_88 = tpu.memref_slice %arg6[%dma_wait3A_85, %dma_wait3A_86, %dma_wait3A_87] : memref<4x128x128xi32, #tpu.memory_space<vmem>> -> memref<1x128x128xi32, #tpu.memory_space<vmem>>
    %dma_wait3A_89 = tpu.memref_squeeze %dma_wait3A_88 : memref<1x128x128xi32, #tpu.memory_space<vmem>> -> memref<128x128xi32, #tpu.memory_space<vmem>>
    %dma_wait3A_90 = arith.constant 0 : i32
    %dma_wait3A_91 = tpu.memref_slice %arg5[%dma_wait3A_84, %dma_wait3A_90] : memref<4x128xi32, #tpu.memory_space<vmem>> -> memref<1x128xi32, #tpu.memory_space<vmem>>
    %dma_wait3A_92 = tpu.memref_squeeze %dma_wait3A_91 : memref<1x128xi32, #tpu.memory_space<vmem>> -> memref<128xi32, #tpu.memory_space<vmem>>
    %dma_wait3A_93 = arith.constant 0 : i32
    %dma_wait3A_94 = arith.constant 0 : i32
    %dma_wait3A_95 = tpu.memref_slice %arg3[%dma_wait3A_93, %dma_wait3A_94] : memref<28672x128xi32, #tpu.memory_space<hbm>> -> memref<28672x128xi32, #tpu.memory_space<hbm>>
    tpu.wait_indirect_dma semaphore(%arg7 : memref<!tpu.dma_semaphore, #tpu.memory_space<semaphore_mem>>) src(%dma_wait3A_95 : memref<28672x128xi32, #tpu.memory_space<hbm>>) dst(%dma_wait3A_89 : memref<128x128xi32, #tpu.memory_space<vmem>>)
    %dma_wait3A_96 = arith.constant 3 : i32
    %dma_wait3A_97 = arith.constant 3 : i32
    %dma_wait3A_98 = arith.constant 0 : i32
    %dma_wait3A_99 = arith.constant 0 : i32
    %dma_wait3A_100 = tpu.memref_slice %arg6[%dma_wait3A_97, %dma_wait3A_98, %dma_wait3A_99] : memref<4x128x128xi32, #tpu.memory_space<vmem>> -> memref<1x128x128xi32, #tpu.memory_space<vmem>>
    %dma_wait3A_101 = tpu.memref_squeeze %dma_wait3A_100 : memref<1x128x128xi32, #tpu.memory_space<vmem>> -> memref<128x128xi32, #tpu.memory_space<vmem>>
    %dma_wait3A_102 = arith.constant 0 : i32
    %dma_wait3A_103 = tpu.memref_slice %arg5[%dma_wait3A_96, %dma_wait3A_102] : memref<4x128xi32, #tpu.memory_space<vmem>> -> memref<1x128xi32, #tpu.memory_space<vmem>>
    %dma_wait3A_104 = tpu.memref_squeeze %dma_wait3A_103 : memref<1x128xi32, #tpu.memory_space<vmem>> -> memref<128xi32, #tpu.memory_space<vmem>>
    %dma_wait3A_105 = arith.constant 0 : i32
    %dma_wait3A_106 = arith.constant 0 : i32
    %dma_wait3A_107 = tpu.memref_slice %arg3[%dma_wait3A_105, %dma_wait3A_106] : memref<28672x128xi32, #tpu.memory_space<hbm>> -> memref<28672x128xi32, #tpu.memory_space<hbm>>
    tpu.wait_indirect_dma semaphore(%arg7 : memref<!tpu.dma_semaphore, #tpu.memory_space<semaphore_mem>>) src(%dma_wait3A_107 : memref<28672x128xi32, #tpu.memory_space<hbm>>) dst(%dma_wait3A_101 : memref<128x128xi32, #tpu.memory_space<vmem>>)
    %add3A_108 = arith.constant 0 : i32
    %add3A_109 = arith.addi %mul3A_2, %add3A_108 : i32
    %run_scoped3A_110 = arith.constant 0 : i32
    "tpu.region"() ({
      %run_scoped3A_120 = tpu.sem_alloc : memref<!tpu.dma_semaphore, #tpu.memory_space<semaphore_mem>>
      %dma_start3A_121 = arith.constant 0 : i32
      %dma_start3A_122 = arith.constant 0 : i32
      %dma_start3A_123 = tpu.memref_slice %arg6[%run_scoped3A_110, %dma_start3A_121, %dma_start3A_122] : memref<4x128x128xi32, #tpu.memory_space<vmem>> -> memref<1x128x128xi32, #tpu.memory_space<vmem>>
      %dma_start3A_124 = tpu.memref_squeeze %dma_start3A_123 : memref<1x128x128xi32, #tpu.memory_space<vmem>> -> memref<128x128xi32, #tpu.memory_space<vmem>>
      %dma_start3A_125 = arith.constant 0 : i32
      %dma_start3A_126 = tpu.memref_slice %arg4[%add3A_109, %dma_start3A_125] : memref<16384x128xi32, #tpu.memory_space<hbm>> -> memref<128x128xi32, #tpu.memory_space<hbm>>
      %dma_start3A_127 = arith.constant 0 : i32
      %dma_start3A_128 = tpu.memref_slice %arg4[%add3A_109, %dma_start3A_127] : memref<16384x128xi32, #tpu.memory_space<hbm>> -> memref<128x128xi32, #tpu.memory_space<hbm>>
      %dma_start3A_129 = arith.constant 0 : i32
      %dma_start3A_130 = arith.constant 0 : i32
      %dma_start3A_131 = tpu.memref_slice %arg6[%run_scoped3A_110, %dma_start3A_129, %dma_start3A_130] : memref<4x128x128xi32, #tpu.memory_space<vmem>> -> memref<1x128x128xi32, #tpu.memory_space<vmem>>
      %dma_start3A_132 = tpu.memref_squeeze %dma_start3A_131 : memref<1x128x128xi32, #tpu.memory_space<vmem>> -> memref<128x128xi32, #tpu.memory_space<vmem>>
      tpu.enqueue_dma source(%dma_start3A_132 : memref<128x128xi32, #tpu.memory_space<vmem>>) target(%dma_start3A_128 : memref<128x128xi32, #tpu.memory_space<hbm>>) target_semaphore(%run_scoped3A_120 : memref<!tpu.dma_semaphore, #tpu.memory_space<semaphore_mem>>)
      %dma_wait3A_133 = arith.constant 0 : i32
      %dma_wait3A_134 = arith.constant 0 : i32
      %dma_wait3A_135 = tpu.memref_slice %arg6[%run_scoped3A_110, %dma_wait3A_133, %dma_wait3A_134] : memref<4x128x128xi32, #tpu.memory_space<vmem>> -> memref<1x128x128xi32, #tpu.memory_space<vmem>>
      %dma_wait3A_136 = tpu.memref_squeeze %dma_wait3A_135 : memref<1x128x128xi32, #tpu.memory_space<vmem>> -> memref<128x128xi32, #tpu.memory_space<vmem>>
      %dma_wait3A_137 = arith.constant 0 : i32
      %dma_wait3A_138 = tpu.memref_slice %arg4[%add3A_109, %dma_wait3A_137] : memref<16384x128xi32, #tpu.memory_space<hbm>> -> memref<128x128xi32, #tpu.memory_space<hbm>>
      %dma_wait3A_139 = arith.constant 0 : i32
      %dma_wait3A_140 = tpu.memref_slice %arg4[%add3A_109, %dma_wait3A_139] : memref<16384x128xi32, #tpu.memory_space<hbm>> -> memref<128x128xi32, #tpu.memory_space<hbm>>
      %dma_wait3A_141 = arith.constant 0 : i32
      %dma_wait3A_142 = arith.constant 0 : i32
      %dma_wait3A_143 = tpu.memref_slice %arg6[%run_scoped3A_110, %dma_wait3A_141, %dma_wait3A_142] : memref<4x128x128xi32, #tpu.memory_space<vmem>> -> memref<1x128x128xi32, #tpu.memory_space<vmem>>
      %dma_wait3A_144 = tpu.memref_squeeze %dma_wait3A_143 : memref<1x128x128xi32, #tpu.memory_space<vmem>> -> memref<128x128xi32, #tpu.memory_space<vmem>>
      tpu.wait_dma2 semaphore(%run_scoped3A_120 : memref<!tpu.dma_semaphore, #tpu.memory_space<semaphore_mem>>) src(%dma_wait3A_144 : memref<128x128xi32, #tpu.memory_space<vmem>>) dst(%dma_wait3A_140 : memref<128x128xi32, #tpu.memory_space<hbm>>)
      tpu.yield
    }) : () -> ()
    %add3A_111 = arith.constant 128 : i32
    %add3A_112 = arith.addi %mul3A_2, %add3A_111 : i32
    %run_scoped3A_113 = arith.constant 1 : i32
    "tpu.region"() ({
      %run_scoped3A_120 = tpu.sem_alloc : memref<!tpu.dma_semaphore, #tpu.memory_space<semaphore_mem>>
      %dma_start3A_121 = arith.constant 0 : i32
      %dma_start3A_122 = arith.constant 0 : i32
      %dma_start3A_123 = tpu.memref_slice %arg6[%run_scoped3A_113, %dma_start3A_121, %dma_start3A_122] : memref<4x128x128xi32, #tpu.memory_space<vmem>> -> memref<1x128x128xi32, #tpu.memory_space<vmem>>
      %dma_start3A_124 = tpu.memref_squeeze %dma_start3A_123 : memref<1x128x128xi32, #tpu.memory_space<vmem>> -> memref<128x128xi32, #tpu.memory_space<vmem>>
      %dma_start3A_125 = arith.constant 0 : i32
      %dma_start3A_126 = tpu.memref_slice %arg4[%add3A_112, %dma_start3A_125] : memref<16384x128xi32, #tpu.memory_space<hbm>> -> memref<128x128xi32, #tpu.memory_space<hbm>>
      %dma_start3A_127 = arith.constant 0 : i32
      %dma_start3A_128 = tpu.memref_slice %arg4[%add3A_112, %dma_start3A_127] : memref<16384x128xi32, #tpu.memory_space<hbm>> -> memref<128x128xi32, #tpu.memory_space<hbm>>
      %dma_start3A_129 = arith.constant 0 : i32
      %dma_start3A_130 = arith.constant 0 : i32
      %dma_start3A_131 = tpu.memref_slice %arg6[%run_scoped3A_113, %dma_start3A_129, %dma_start3A_130] : memref<4x128x128xi32, #tpu.memory_space<vmem>> -> memref<1x128x128xi32, #tpu.memory_space<vmem>>
      %dma_start3A_132 = tpu.memref_squeeze %dma_start3A_131 : memref<1x128x128xi32, #tpu.memory_space<vmem>> -> memref<128x128xi32, #tpu.memory_space<vmem>>
      tpu.enqueue_dma source(%dma_start3A_132 : memref<128x128xi32, #tpu.memory_space<vmem>>) target(%dma_start3A_128 : memref<128x128xi32, #tpu.memory_space<hbm>>) target_semaphore(%run_scoped3A_120 : memref<!tpu.dma_semaphore, #tpu.memory_space<semaphore_mem>>)
      %dma_wait3A_133 = arith.constant 0 : i32
      %dma_wait3A_134 = arith.constant 0 : i32
      %dma_wait3A_135 = tpu.memref_slice %arg6[%run_scoped3A_113, %dma_wait3A_133, %dma_wait3A_134] : memref<4x128x128xi32, #tpu.memory_space<vmem>> -> memref<1x128x128xi32, #tpu.memory_space<vmem>>
      %dma_wait3A_136 = tpu.memref_squeeze %dma_wait3A_135 : memref<1x128x128xi32, #tpu.memory_space<vmem>> -> memref<128x128xi32, #tpu.memory_space<vmem>>
      %dma_wait3A_137 = arith.constant 0 : i32
      %dma_wait3A_138 = tpu.memref_slice %arg4[%add3A_112, %dma_wait3A_137] : memref<16384x128xi32, #tpu.memory_space<hbm>> -> memref<128x128xi32, #tpu.memory_space<hbm>>
      %dma_wait3A_139 = arith.constant 0 : i32
      %dma_wait3A_140 = tpu.memref_slice %arg4[%add3A_112, %dma_wait3A_139] : memref<16384x128xi32, #tpu.memory_space<hbm>> -> memref<128x128xi32, #tpu.memory_space<hbm>>
      %dma_wait3A_141 = arith.constant 0 : i32
      %dma_wait3A_142 = arith.constant 0 : i32
      %dma_wait3A_143 = tpu.memref_slice %arg6[%run_scoped3A_113, %dma_wait3A_141, %dma_wait3A_142] : memref<4x128x128xi32, #tpu.memory_space<vmem>> -> memref<1x128x128xi32, #tpu.memory_space<vmem>>
      %dma_wait3A_144 = tpu.memref_squeeze %dma_wait3A_143 : memref<1x128x128xi32, #tpu.memory_space<vmem>> -> memref<128x128xi32, #tpu.memory_space<vmem>>
      tpu.wait_dma2 semaphore(%run_scoped3A_120 : memref<!tpu.dma_semaphore, #tpu.memory_space<semaphore_mem>>) src(%dma_wait3A_144 : memref<128x128xi32, #tpu.memory_space<vmem>>) dst(%dma_wait3A_140 : memref<128x128xi32, #tpu.memory_space<hbm>>)
      tpu.yield
    }) : () -> ()
    %add3A_114 = arith.constant 256 : i32
    %add3A_115 = arith.addi %mul3A_2, %add3A_114 : i32
    %run_scoped3A_116 = arith.constant 2 : i32
    "tpu.region"() ({
      %run_scoped3A_120 = tpu.sem_alloc : memref<!tpu.dma_semaphore, #tpu.memory_space<semaphore_mem>>
      %dma_start3A_121 = arith.constant 0 : i32
      %dma_start3A_122 = arith.constant 0 : i32
      %dma_start3A_123 = tpu.memref_slice %arg6[%run_scoped3A_116, %dma_start3A_121, %dma_start3A_122] : memref<4x128x128xi32, #tpu.memory_space<vmem>> -> memref<1x128x128xi32, #tpu.memory_space<vmem>>
      %dma_start3A_124 = tpu.memref_squeeze %dma_start3A_123 : memref<1x128x128xi32, #tpu.memory_space<vmem>> -> memref<128x128xi32, #tpu.memory_space<vmem>>
      %dma_start3A_125 = arith.constant 0 : i32
      %dma_start3A_126 = tpu.memref_slice %arg4[%add3A_115, %dma_start3A_125] : memref<16384x128xi32, #tpu.memory_space<hbm>> -> memref<128x128xi32, #tpu.memory_space<hbm>>
      %dma_start3A_127 = arith.constant 0 : i32
      %dma_start3A_128 = tpu.memref_slice %arg4[%add3A_115, %dma_start3A_127] : memref<16384x128xi32, #tpu.memory_space<hbm>> -> memref<128x128xi32, #tpu.memory_space<hbm>>
      %dma_start3A_129 = arith.constant 0 : i32
      %dma_start3A_130 = arith.constant 0 : i32
      %dma_start3A_131 = tpu.memref_slice %arg6[%run_scoped3A_116, %dma_start3A_129, %dma_start3A_130] : memref<4x128x128xi32, #tpu.memory_space<vmem>> -> memref<1x128x128xi32, #tpu.memory_space<vmem>>
      %dma_start3A_132 = tpu.memref_squeeze %dma_start3A_131 : memref<1x128x128xi32, #tpu.memory_space<vmem>> -> memref<128x128xi32, #tpu.memory_space<vmem>>
      tpu.enqueue_dma source(%dma_start3A_132 : memref<128x128xi32, #tpu.memory_space<vmem>>) target(%dma_start3A_128 : memref<128x128xi32, #tpu.memory_space<hbm>>) target_semaphore(%run_scoped3A_120 : memref<!tpu.dma_semaphore, #tpu.memory_space<semaphore_mem>>)
      %dma_wait3A_133 = arith.constant 0 : i32
      %dma_wait3A_134 = arith.constant 0 : i32
      %dma_wait3A_135 = tpu.memref_slice %arg6[%run_scoped3A_116, %dma_wait3A_133, %dma_wait3A_134] : memref<4x128x128xi32, #tpu.memory_space<vmem>> -> memref<1x128x128xi32, #tpu.memory_space<vmem>>
      %dma_wait3A_136 = tpu.memref_squeeze %dma_wait3A_135 : memref<1x128x128xi32, #tpu.memory_space<vmem>> -> memref<128x128xi32, #tpu.memory_space<vmem>>
      %dma_wait3A_137 = arith.constant 0 : i32
      %dma_wait3A_138 = tpu.memref_slice %arg4[%add3A_115, %dma_wait3A_137] : memref<16384x128xi32, #tpu.memory_space<hbm>> -> memref<128x128xi32, #tpu.memory_space<hbm>>
      %dma_wait3A_139 = arith.constant 0 : i32
      %dma_wait3A_140 = tpu.memref_slice %arg4[%add3A_115, %dma_wait3A_139] : memref<16384x128xi32, #tpu.memory_space<hbm>> -> memref<128x128xi32, #tpu.memory_space<hbm>>
      %dma_wait3A_141 = arith.constant 0 : i32
      %dma_wait3A_142 = arith.constant 0 : i32
      %dma_wait3A_143 = tpu.memref_slice %arg6[%run_scoped3A_116, %dma_wait3A_141, %dma_wait3A_142] : memref<4x128x128xi32, #tpu.memory_space<vmem>> -> memref<1x128x128xi32, #tpu.memory_space<vmem>>
      %dma_wait3A_144 = tpu.memref_squeeze %dma_wait3A_143 : memref<1x128x128xi32, #tpu.memory_space<vmem>> -> memref<128x128xi32, #tpu.memory_space<vmem>>
      tpu.wait_dma2 semaphore(%run_scoped3A_120 : memref<!tpu.dma_semaphore, #tpu.memory_space<semaphore_mem>>) src(%dma_wait3A_144 : memref<128x128xi32, #tpu.memory_space<vmem>>) dst(%dma_wait3A_140 : memref<128x128xi32, #tpu.memory_space<hbm>>)
      tpu.yield
    }) : () -> ()
    %add3A_117 = arith.constant 384 : i32
    %add3A_118 = arith.addi %mul3A_2, %add3A_117 : i32
    %run_scoped3A_119 = arith.constant 3 : i32
    "tpu.region"() ({
      %run_scoped3A_120 = tpu.sem_alloc : memref<!tpu.dma_semaphore, #tpu.memory_space<semaphore_mem>>
      %dma_start3A_121 = arith.constant 0 : i32
      %dma_start3A_122 = arith.constant 0 : i32
      %dma_start3A_123 = tpu.memref_slice %arg6[%run_scoped3A_119, %dma_start3A_121, %dma_start3A_122] : memref<4x128x128xi32, #tpu.memory_space<vmem>> -> memref<1x128x128xi32, #tpu.memory_space<vmem>>
      %dma_start3A_124 = tpu.memref_squeeze %dma_start3A_123 : memref<1x128x128xi32, #tpu.memory_space<vmem>> -> memref<128x128xi32, #tpu.memory_space<vmem>>
      %dma_start3A_125 = arith.constant 0 : i32
      %dma_start3A_126 = tpu.memref_slice %arg4[%add3A_118, %dma_start3A_125] : memref<16384x128xi32, #tpu.memory_space<hbm>> -> memref<128x128xi32, #tpu.memory_space<hbm>>
      %dma_start3A_127 = arith.constant 0 : i32
      %dma_start3A_128 = tpu.memref_slice %arg4[%add3A_118, %dma_start3A_127] : memref<16384x128xi32, #tpu.memory_space<hbm>> -> memref<128x128xi32, #tpu.memory_space<hbm>>
      %dma_start3A_129 = arith.constant 0 : i32
      %dma_start3A_130 = arith.constant 0 : i32
      %dma_start3A_131 = tpu.memref_slice %arg6[%run_scoped3A_119, %dma_start3A_129, %dma_start3A_130] : memref<4x128x128xi32, #tpu.memory_space<vmem>> -> memref<1x128x128xi32, #tpu.memory_space<vmem>>
      %dma_start3A_132 = tpu.memref_squeeze %dma_start3A_131 : memref<1x128x128xi32, #tpu.memory_space<vmem>> -> memref<128x128xi32, #tpu.memory_space<vmem>>
      tpu.enqueue_dma source(%dma_start3A_132 : memref<128x128xi32, #tpu.memory_space<vmem>>) target(%dma_start3A_128 : memref<128x128xi32, #tpu.memory_space<hbm>>) target_semaphore(%run_scoped3A_120 : memref<!tpu.dma_semaphore, #tpu.memory_space<semaphore_mem>>)
      %dma_wait3A_133 = arith.constant 0 : i32
      %dma_wait3A_134 = arith.constant 0 : i32
      %dma_wait3A_135 = tpu.memref_slice %arg6[%run_scoped3A_119, %dma_wait3A_133, %dma_wait3A_134] : memref<4x128x128xi32, #tpu.memory_space<vmem>> -> memref<1x128x128xi32, #tpu.memory_space<vmem>>
      %dma_wait3A_136 = tpu.memref_squeeze %dma_wait3A_135 : memref<1x128x128xi32, #tpu.memory_space<vmem>> -> memref<128x128xi32, #tpu.memory_space<vmem>>
      %dma_wait3A_137 = arith.constant 0 : i32
      %dma_wait3A_138 = tpu.memref_slice %arg4[%add3A_118, %dma_wait3A_137] : memref<16384x128xi32, #tpu.memory_space<hbm>> -> memref<128x128xi32, #tpu.memory_space<hbm>>
      %dma_wait3A_139 = arith.constant 0 : i32
      %dma_wait3A_140 = tpu.memref_slice %arg4[%add3A_118, %dma_wait3A_139] : memref<16384x128xi32, #tpu.memory_space<hbm>> -> memref<128x128xi32, #tpu.memory_space<hbm>>
      %dma_wait3A_141 = arith.constant 0 : i32
      %dma_wait3A_142 = arith.constant 0 : i32
      %dma_wait3A_143 = tpu.memref_slice %arg6[%run_scoped3A_119, %dma_wait3A_141, %dma_wait3A_142] : memref<4x128x128xi32, #tpu.memory_space<vmem>> -> memref<1x128x128xi32, #tpu.memory_space<vmem>>
      %dma_wait3A_144 = tpu.memref_squeeze %dma_wait3A_143 : memref<1x128x128xi32, #tpu.memory_space<vmem>> -> memref<128x128xi32, #tpu.memory_space<vmem>>
      tpu.wait_dma2 semaphore(%run_scoped3A_120 : memref<!tpu.dma_semaphore, #tpu.memory_space<semaphore_mem>>) src(%dma_wait3A_144 : memref<128x128xi32, #tpu.memory_space<vmem>>) dst(%dma_wait3A_140 : memref<128x128xi32, #tpu.memory_space<hbm>>)
      tpu.yield
    }) : () -> ()
    return
  }
}

#map = affine_map<(d0, d1) -> (0)>
#map1 = affine_map<(d0, d1) -> (0, 0)>
module attributes {stable_mosaic.version = 14 : i64} {
  func.func @gather_k(%arg0: i32, %arg1: i32, %arg2: memref<16384xi32, #tpu.memory_space<hbm>>, %arg3: memref<258048x128xi32, #tpu.memory_space<hbm>>, %arg4: memref<16384x128xi32, #tpu.memory_space<hbm>>, %arg5: memref<4x128xi32, #tpu.memory_space<vmem>>, %arg6: memref<4x128x128xi32, #tpu.memory_space<vmem>>, %arg7: memref<!tpu.dma_semaphore, #tpu.memory_space<semaphore_mem>>) attributes {dimension_semantics = [#tpu.dimension_semantics<core_parallel>, #tpu.dimension_semantics<subcore_parallel>], iteration_bounds = array<i64: 2, 16>, scalar_prefetch = 0 : i64, scratch_operands = 3 : i64, tpu.core_type = #tpu.core_type<sc_vector_subcore>, window_params = [{transform_indices = #map}, {transform_indices = #map1}, {transform_indices = #map1}]} {
    %mul3A = arith.constant 2 : i32
    %mul3A_0 = arith.muli %arg1, %mul3A : i32
    %add3A = arith.addi %mul3A_0, %arg0 : i32
    %mul3A_1 = arith.constant 512 : i32
    %mul3A_2 = arith.muli %add3A, %mul3A_1 : i32
    %add3A_3 = arith.constant 0 : i32
    %add3A_4 = arith.addi %mul3A_2, %add3A_3 : i32
    %run_scoped3A = arith.constant 0 : i32
    "tpu.region"() ({
      %run_scoped3A_120 = tpu.sem_alloc : memref<!tpu.dma_semaphore, #tpu.memory_space<semaphore_mem>>
      %dma_start3A_121 = arith.constant 0 : i32
      %dma_start3A_122 = tpu.memref_slice %arg5[%run_scoped3A, %dma_start3A_121] : memref<4x128xi32, #tpu.memory_space<vmem>> -> memref<1x128xi32, #tpu.memory_space<vmem>>
      %dma_start3A_123 = tpu.memref_squeeze %dma_start3A_122 : memref<1x128xi32, #tpu.memory_space<vmem>> -> memref<128xi32, #tpu.memory_space<vmem>>
      %dma_start3A_124 = tpu.memref_slice %arg2[%add3A_4] : memref<16384xi32, #tpu.memory_space<hbm>> -> memref<128xi32, #tpu.memory_space<hbm>>
      %dma_start3A_125 = arith.constant 0 : i32
      %dma_start3A_126 = tpu.memref_slice %arg5[%run_scoped3A, %dma_start3A_125] : memref<4x128xi32, #tpu.memory_space<vmem>> -> memref<1x128xi32, #tpu.memory_space<vmem>>
      %dma_start3A_127 = tpu.memref_squeeze %dma_start3A_126 : memref<1x128xi32, #tpu.memory_space<vmem>> -> memref<128xi32, #tpu.memory_space<vmem>>
      %dma_start3A_128 = tpu.memref_slice %arg2[%add3A_4] : memref<16384xi32, #tpu.memory_space<hbm>> -> memref<128xi32, #tpu.memory_space<hbm>>
      tpu.enqueue_dma source(%dma_start3A_128 : memref<128xi32, #tpu.memory_space<hbm>>) target(%dma_start3A_127 : memref<128xi32, #tpu.memory_space<vmem>>) target_semaphore(%run_scoped3A_120 : memref<!tpu.dma_semaphore, #tpu.memory_space<semaphore_mem>>)
      %dma_wait3A_129 = arith.constant 0 : i32
      %dma_wait3A_130 = tpu.memref_slice %arg5[%run_scoped3A, %dma_wait3A_129] : memref<4x128xi32, #tpu.memory_space<vmem>> -> memref<1x128xi32, #tpu.memory_space<vmem>>
      %dma_wait3A_131 = tpu.memref_squeeze %dma_wait3A_130 : memref<1x128xi32, #tpu.memory_space<vmem>> -> memref<128xi32, #tpu.memory_space<vmem>>
      %dma_wait3A_132 = tpu.memref_slice %arg2[%add3A_4] : memref<16384xi32, #tpu.memory_space<hbm>> -> memref<128xi32, #tpu.memory_space<hbm>>
      %dma_wait3A_133 = arith.constant 0 : i32
      %dma_wait3A_134 = tpu.memref_slice %arg5[%run_scoped3A, %dma_wait3A_133] : memref<4x128xi32, #tpu.memory_space<vmem>> -> memref<1x128xi32, #tpu.memory_space<vmem>>
      %dma_wait3A_135 = tpu.memref_squeeze %dma_wait3A_134 : memref<1x128xi32, #tpu.memory_space<vmem>> -> memref<128xi32, #tpu.memory_space<vmem>>
      %dma_wait3A_136 = tpu.memref_slice %arg2[%add3A_4] : memref<16384xi32, #tpu.memory_space<hbm>> -> memref<128xi32, #tpu.memory_space<hbm>>
      tpu.wait_dma2 semaphore(%run_scoped3A_120 : memref<!tpu.dma_semaphore, #tpu.memory_space<semaphore_mem>>) src(%dma_wait3A_136 : memref<128xi32, #tpu.memory_space<hbm>>) dst(%dma_wait3A_135 : memref<128xi32, #tpu.memory_space<vmem>>)
      tpu.yield
    }) : () -> ()
    %add3A_5 = arith.constant 128 : i32
    %add3A_6 = arith.addi %mul3A_2, %add3A_5 : i32
    %run_scoped3A_7 = arith.constant 1 : i32
    "tpu.region"() ({
      %run_scoped3A_120 = tpu.sem_alloc : memref<!tpu.dma_semaphore, #tpu.memory_space<semaphore_mem>>
      %dma_start3A_121 = arith.constant 0 : i32
      %dma_start3A_122 = tpu.memref_slice %arg5[%run_scoped3A_7, %dma_start3A_121] : memref<4x128xi32, #tpu.memory_space<vmem>> -> memref<1x128xi32, #tpu.memory_space<vmem>>
      %dma_start3A_123 = tpu.memref_squeeze %dma_start3A_122 : memref<1x128xi32, #tpu.memory_space<vmem>> -> memref<128xi32, #tpu.memory_space<vmem>>
      %dma_start3A_124 = tpu.memref_slice %arg2[%add3A_6] : memref<16384xi32, #tpu.memory_space<hbm>> -> memref<128xi32, #tpu.memory_space<hbm>>
      %dma_start3A_125 = arith.constant 0 : i32
      %dma_start3A_126 = tpu.memref_slice %arg5[%run_scoped3A_7, %dma_start3A_125] : memref<4x128xi32, #tpu.memory_space<vmem>> -> memref<1x128xi32, #tpu.memory_space<vmem>>
      %dma_start3A_127 = tpu.memref_squeeze %dma_start3A_126 : memref<1x128xi32, #tpu.memory_space<vmem>> -> memref<128xi32, #tpu.memory_space<vmem>>
      %dma_start3A_128 = tpu.memref_slice %arg2[%add3A_6] : memref<16384xi32, #tpu.memory_space<hbm>> -> memref<128xi32, #tpu.memory_space<hbm>>
      tpu.enqueue_dma source(%dma_start3A_128 : memref<128xi32, #tpu.memory_space<hbm>>) target(%dma_start3A_127 : memref<128xi32, #tpu.memory_space<vmem>>) target_semaphore(%run_scoped3A_120 : memref<!tpu.dma_semaphore, #tpu.memory_space<semaphore_mem>>)
      %dma_wait3A_129 = arith.constant 0 : i32
      %dma_wait3A_130 = tpu.memref_slice %arg5[%run_scoped3A_7, %dma_wait3A_129] : memref<4x128xi32, #tpu.memory_space<vmem>> -> memref<1x128xi32, #tpu.memory_space<vmem>>
      %dma_wait3A_131 = tpu.memref_squeeze %dma_wait3A_130 : memref<1x128xi32, #tpu.memory_space<vmem>> -> memref<128xi32, #tpu.memory_space<vmem>>
      %dma_wait3A_132 = tpu.memref_slice %arg2[%add3A_6] : memref<16384xi32, #tpu.memory_space<hbm>> -> memref<128xi32, #tpu.memory_space<hbm>>
      %dma_wait3A_133 = arith.constant 0 : i32
      %dma_wait3A_134 = tpu.memref_slice %arg5[%run_scoped3A_7, %dma_wait3A_133] : memref<4x128xi32, #tpu.memory_space<vmem>> -> memref<1x128xi32, #tpu.memory_space<vmem>>
      %dma_wait3A_135 = tpu.memref_squeeze %dma_wait3A_134 : memref<1x128xi32, #tpu.memory_space<vmem>> -> memref<128xi32, #tpu.memory_space<vmem>>
      %dma_wait3A_136 = tpu.memref_slice %arg2[%add3A_6] : memref<16384xi32, #tpu.memory_space<hbm>> -> memref<128xi32, #tpu.memory_space<hbm>>
      tpu.wait_dma2 semaphore(%run_scoped3A_120 : memref<!tpu.dma_semaphore, #tpu.memory_space<semaphore_mem>>) src(%dma_wait3A_136 : memref<128xi32, #tpu.memory_space<hbm>>) dst(%dma_wait3A_135 : memref<128xi32, #tpu.memory_space<vmem>>)
      tpu.yield
    }) : () -> ()
    %add3A_8 = arith.constant 256 : i32
    %add3A_9 = arith.addi %mul3A_2, %add3A_8 : i32
    %run_scoped3A_10 = arith.constant 2 : i32
    "tpu.region"() ({
      %run_scoped3A_120 = tpu.sem_alloc : memref<!tpu.dma_semaphore, #tpu.memory_space<semaphore_mem>>
      %dma_start3A_121 = arith.constant 0 : i32
      %dma_start3A_122 = tpu.memref_slice %arg5[%run_scoped3A_10, %dma_start3A_121] : memref<4x128xi32, #tpu.memory_space<vmem>> -> memref<1x128xi32, #tpu.memory_space<vmem>>
      %dma_start3A_123 = tpu.memref_squeeze %dma_start3A_122 : memref<1x128xi32, #tpu.memory_space<vmem>> -> memref<128xi32, #tpu.memory_space<vmem>>
      %dma_start3A_124 = tpu.memref_slice %arg2[%add3A_9] : memref<16384xi32, #tpu.memory_space<hbm>> -> memref<128xi32, #tpu.memory_space<hbm>>
      %dma_start3A_125 = arith.constant 0 : i32
      %dma_start3A_126 = tpu.memref_slice %arg5[%run_scoped3A_10, %dma_start3A_125] : memref<4x128xi32, #tpu.memory_space<vmem>> -> memref<1x128xi32, #tpu.memory_space<vmem>>
      %dma_start3A_127 = tpu.memref_squeeze %dma_start3A_126 : memref<1x128xi32, #tpu.memory_space<vmem>> -> memref<128xi32, #tpu.memory_space<vmem>>
      %dma_start3A_128 = tpu.memref_slice %arg2[%add3A_9] : memref<16384xi32, #tpu.memory_space<hbm>> -> memref<128xi32, #tpu.memory_space<hbm>>
      tpu.enqueue_dma source(%dma_start3A_128 : memref<128xi32, #tpu.memory_space<hbm>>) target(%dma_start3A_127 : memref<128xi32, #tpu.memory_space<vmem>>) target_semaphore(%run_scoped3A_120 : memref<!tpu.dma_semaphore, #tpu.memory_space<semaphore_mem>>)
      %dma_wait3A_129 = arith.constant 0 : i32
      %dma_wait3A_130 = tpu.memref_slice %arg5[%run_scoped3A_10, %dma_wait3A_129] : memref<4x128xi32, #tpu.memory_space<vmem>> -> memref<1x128xi32, #tpu.memory_space<vmem>>
      %dma_wait3A_131 = tpu.memref_squeeze %dma_wait3A_130 : memref<1x128xi32, #tpu.memory_space<vmem>> -> memref<128xi32, #tpu.memory_space<vmem>>
      %dma_wait3A_132 = tpu.memref_slice %arg2[%add3A_9] : memref<16384xi32, #tpu.memory_space<hbm>> -> memref<128xi32, #tpu.memory_space<hbm>>
      %dma_wait3A_133 = arith.constant 0 : i32
      %dma_wait3A_134 = tpu.memref_slice %arg5[%run_scoped3A_10, %dma_wait3A_133] : memref<4x128xi32, #tpu.memory_space<vmem>> -> memref<1x128xi32, #tpu.memory_space<vmem>>
      %dma_wait3A_135 = tpu.memref_squeeze %dma_wait3A_134 : memref<1x128xi32, #tpu.memory_space<vmem>> -> memref<128xi32, #tpu.memory_space<vmem>>
      %dma_wait3A_136 = tpu.memref_slice %arg2[%add3A_9] : memref<16384xi32, #tpu.memory_space<hbm>> -> memref<128xi32, #tpu.memory_space<hbm>>
      tpu.wait_dma2 semaphore(%run_scoped3A_120 : memref<!tpu.dma_semaphore, #tpu.memory_space<semaphore_mem>>) src(%dma_wait3A_136 : memref<128xi32, #tpu.memory_space<hbm>>) dst(%dma_wait3A_135 : memref<128xi32, #tpu.memory_space<vmem>>)
      tpu.yield
    }) : () -> ()
    %add3A_11 = arith.constant 384 : i32
    %add3A_12 = arith.addi %mul3A_2, %add3A_11 : i32
    %run_scoped3A_13 = arith.constant 3 : i32
    "tpu.region"() ({
      %run_scoped3A_120 = tpu.sem_alloc : memref<!tpu.dma_semaphore, #tpu.memory_space<semaphore_mem>>
      %dma_start3A_121 = arith.constant 0 : i32
      %dma_start3A_122 = tpu.memref_slice %arg5[%run_scoped3A_13, %dma_start3A_121] : memref<4x128xi32, #tpu.memory_space<vmem>> -> memref<1x128xi32, #tpu.memory_space<vmem>>
      %dma_start3A_123 = tpu.memref_squeeze %dma_start3A_122 : memref<1x128xi32, #tpu.memory_space<vmem>> -> memref<128xi32, #tpu.memory_space<vmem>>
      %dma_start3A_124 = tpu.memref_slice %arg2[%add3A_12] : memref<16384xi32, #tpu.memory_space<hbm>> -> memref<128xi32, #tpu.memory_space<hbm>>
      %dma_start3A_125 = arith.constant 0 : i32
      %dma_start3A_126 = tpu.memref_slice %arg5[%run_scoped3A_13, %dma_start3A_125] : memref<4x128xi32, #tpu.memory_space<vmem>> -> memref<1x128xi32, #tpu.memory_space<vmem>>
      %dma_start3A_127 = tpu.memref_squeeze %dma_start3A_126 : memref<1x128xi32, #tpu.memory_space<vmem>> -> memref<128xi32, #tpu.memory_space<vmem>>
      %dma_start3A_128 = tpu.memref_slice %arg2[%add3A_12] : memref<16384xi32, #tpu.memory_space<hbm>> -> memref<128xi32, #tpu.memory_space<hbm>>
      tpu.enqueue_dma source(%dma_start3A_128 : memref<128xi32, #tpu.memory_space<hbm>>) target(%dma_start3A_127 : memref<128xi32, #tpu.memory_space<vmem>>) target_semaphore(%run_scoped3A_120 : memref<!tpu.dma_semaphore, #tpu.memory_space<semaphore_mem>>)
      %dma_wait3A_129 = arith.constant 0 : i32
      %dma_wait3A_130 = tpu.memref_slice %arg5[%run_scoped3A_13, %dma_wait3A_129] : memref<4x128xi32, #tpu.memory_space<vmem>> -> memref<1x128xi32, #tpu.memory_space<vmem>>
      %dma_wait3A_131 = tpu.memref_squeeze %dma_wait3A_130 : memref<1x128xi32, #tpu.memory_space<vmem>> -> memref<128xi32, #tpu.memory_space<vmem>>
      %dma_wait3A_132 = tpu.memref_slice %arg2[%add3A_12] : memref<16384xi32, #tpu.memory_space<hbm>> -> memref<128xi32, #tpu.memory_space<hbm>>
      %dma_wait3A_133 = arith.constant 0 : i32
      %dma_wait3A_134 = tpu.memref_slice %arg5[%run_scoped3A_13, %dma_wait3A_133] : memref<4x128xi32, #tpu.memory_space<vmem>> -> memref<1x128xi32, #tpu.memory_space<vmem>>
      %dma_wait3A_135 = tpu.memref_squeeze %dma_wait3A_134 : memref<1x128xi32, #tpu.memory_space<vmem>> -> memref<128xi32, #tpu.memory_space<vmem>>
      %dma_wait3A_136 = tpu.memref_slice %arg2[%add3A_12] : memref<16384xi32, #tpu.memory_space<hbm>> -> memref<128xi32, #tpu.memory_space<hbm>>
      tpu.wait_dma2 semaphore(%run_scoped3A_120 : memref<!tpu.dma_semaphore, #tpu.memory_space<semaphore_mem>>) src(%dma_wait3A_136 : memref<128xi32, #tpu.memory_space<hbm>>) dst(%dma_wait3A_135 : memref<128xi32, #tpu.memory_space<vmem>>)
      tpu.yield
    }) : () -> ()
    %dma_start3A = arith.constant 0 : i32
    %dma_start3A_14 = arith.constant 0 : i32
    %dma_start3A_15 = arith.constant 0 : i32
    %dma_start3A_16 = arith.constant 0 : i32
    %dma_start3A_17 = tpu.memref_slice %arg6[%dma_start3A_14, %dma_start3A_15, %dma_start3A_16] : memref<4x128x128xi32, #tpu.memory_space<vmem>> -> memref<1x128x128xi32, #tpu.memory_space<vmem>>
    %dma_start3A_18 = tpu.memref_squeeze %dma_start3A_17 : memref<1x128x128xi32, #tpu.memory_space<vmem>> -> memref<128x128xi32, #tpu.memory_space<vmem>>
    %dma_start3A_19 = arith.constant 0 : i32
    %dma_start3A_20 = tpu.memref_slice %arg5[%dma_start3A, %dma_start3A_19] : memref<4x128xi32, #tpu.memory_space<vmem>> -> memref<1x128xi32, #tpu.memory_space<vmem>>
    %dma_start3A_21 = tpu.memref_squeeze %dma_start3A_20 : memref<1x128xi32, #tpu.memory_space<vmem>> -> memref<128xi32, #tpu.memory_space<vmem>>
    %dma_start3A_22 = arith.constant 0 : i32
    %dma_start3A_23 = arith.constant 0 : i32
    %dma_start3A_24 = tpu.memref_slice %arg3[%dma_start3A_22, %dma_start3A_23] : memref<258048x128xi32, #tpu.memory_space<hbm>> -> memref<258048x128xi32, #tpu.memory_space<hbm>>
    tpu.enqueue_indirect_dma source(%dma_start3A_24 : memref<258048x128xi32, #tpu.memory_space<hbm>>) target(%dma_start3A_18 : memref<128x128xi32, #tpu.memory_space<vmem>>) offsets(%dma_start3A_21 : memref<128xi32, #tpu.memory_space<vmem>>) semaphore(%arg7 : memref<!tpu.dma_semaphore, #tpu.memory_space<semaphore_mem>>)
    %dma_start3A_25 = arith.constant 1 : i32
    %dma_start3A_26 = arith.constant 1 : i32
    %dma_start3A_27 = arith.constant 0 : i32
    %dma_start3A_28 = arith.constant 0 : i32
    %dma_start3A_29 = tpu.memref_slice %arg6[%dma_start3A_26, %dma_start3A_27, %dma_start3A_28] : memref<4x128x128xi32, #tpu.memory_space<vmem>> -> memref<1x128x128xi32, #tpu.memory_space<vmem>>
    %dma_start3A_30 = tpu.memref_squeeze %dma_start3A_29 : memref<1x128x128xi32, #tpu.memory_space<vmem>> -> memref<128x128xi32, #tpu.memory_space<vmem>>
    %dma_start3A_31 = arith.constant 0 : i32
    %dma_start3A_32 = tpu.memref_slice %arg5[%dma_start3A_25, %dma_start3A_31] : memref<4x128xi32, #tpu.memory_space<vmem>> -> memref<1x128xi32, #tpu.memory_space<vmem>>
    %dma_start3A_33 = tpu.memref_squeeze %dma_start3A_32 : memref<1x128xi32, #tpu.memory_space<vmem>> -> memref<128xi32, #tpu.memory_space<vmem>>
    %dma_start3A_34 = arith.constant 0 : i32
    %dma_start3A_35 = arith.constant 0 : i32
    %dma_start3A_36 = tpu.memref_slice %arg3[%dma_start3A_34, %dma_start3A_35] : memref<258048x128xi32, #tpu.memory_space<hbm>> -> memref<258048x128xi32, #tpu.memory_space<hbm>>
    tpu.enqueue_indirect_dma source(%dma_start3A_36 : memref<258048x128xi32, #tpu.memory_space<hbm>>) target(%dma_start3A_30 : memref<128x128xi32, #tpu.memory_space<vmem>>) offsets(%dma_start3A_33 : memref<128xi32, #tpu.memory_space<vmem>>) semaphore(%arg7 : memref<!tpu.dma_semaphore, #tpu.memory_space<semaphore_mem>>)
    %dma_start3A_37 = arith.constant 2 : i32
    %dma_start3A_38 = arith.constant 2 : i32
    %dma_start3A_39 = arith.constant 0 : i32
    %dma_start3A_40 = arith.constant 0 : i32
    %dma_start3A_41 = tpu.memref_slice %arg6[%dma_start3A_38, %dma_start3A_39, %dma_start3A_40] : memref<4x128x128xi32, #tpu.memory_space<vmem>> -> memref<1x128x128xi32, #tpu.memory_space<vmem>>
    %dma_start3A_42 = tpu.memref_squeeze %dma_start3A_41 : memref<1x128x128xi32, #tpu.memory_space<vmem>> -> memref<128x128xi32, #tpu.memory_space<vmem>>
    %dma_start3A_43 = arith.constant 0 : i32
    %dma_start3A_44 = tpu.memref_slice %arg5[%dma_start3A_37, %dma_start3A_43] : memref<4x128xi32, #tpu.memory_space<vmem>> -> memref<1x128xi32, #tpu.memory_space<vmem>>
    %dma_start3A_45 = tpu.memref_squeeze %dma_start3A_44 : memref<1x128xi32, #tpu.memory_space<vmem>> -> memref<128xi32, #tpu.memory_space<vmem>>
    %dma_start3A_46 = arith.constant 0 : i32
    %dma_start3A_47 = arith.constant 0 : i32
    %dma_start3A_48 = tpu.memref_slice %arg3[%dma_start3A_46, %dma_start3A_47] : memref<258048x128xi32, #tpu.memory_space<hbm>> -> memref<258048x128xi32, #tpu.memory_space<hbm>>
    tpu.enqueue_indirect_dma source(%dma_start3A_48 : memref<258048x128xi32, #tpu.memory_space<hbm>>) target(%dma_start3A_42 : memref<128x128xi32, #tpu.memory_space<vmem>>) offsets(%dma_start3A_45 : memref<128xi32, #tpu.memory_space<vmem>>) semaphore(%arg7 : memref<!tpu.dma_semaphore, #tpu.memory_space<semaphore_mem>>)
    %dma_start3A_49 = arith.constant 3 : i32
    %dma_start3A_50 = arith.constant 3 : i32
    %dma_start3A_51 = arith.constant 0 : i32
    %dma_start3A_52 = arith.constant 0 : i32
    %dma_start3A_53 = tpu.memref_slice %arg6[%dma_start3A_50, %dma_start3A_51, %dma_start3A_52] : memref<4x128x128xi32, #tpu.memory_space<vmem>> -> memref<1x128x128xi32, #tpu.memory_space<vmem>>
    %dma_start3A_54 = tpu.memref_squeeze %dma_start3A_53 : memref<1x128x128xi32, #tpu.memory_space<vmem>> -> memref<128x128xi32, #tpu.memory_space<vmem>>
    %dma_start3A_55 = arith.constant 0 : i32
    %dma_start3A_56 = tpu.memref_slice %arg5[%dma_start3A_49, %dma_start3A_55] : memref<4x128xi32, #tpu.memory_space<vmem>> -> memref<1x128xi32, #tpu.memory_space<vmem>>
    %dma_start3A_57 = tpu.memref_squeeze %dma_start3A_56 : memref<1x128xi32, #tpu.memory_space<vmem>> -> memref<128xi32, #tpu.memory_space<vmem>>
    %dma_start3A_58 = arith.constant 0 : i32
    %dma_start3A_59 = arith.constant 0 : i32
    %dma_start3A_60 = tpu.memref_slice %arg3[%dma_start3A_58, %dma_start3A_59] : memref<258048x128xi32, #tpu.memory_space<hbm>> -> memref<258048x128xi32, #tpu.memory_space<hbm>>
    tpu.enqueue_indirect_dma source(%dma_start3A_60 : memref<258048x128xi32, #tpu.memory_space<hbm>>) target(%dma_start3A_54 : memref<128x128xi32, #tpu.memory_space<vmem>>) offsets(%dma_start3A_57 : memref<128xi32, #tpu.memory_space<vmem>>) semaphore(%arg7 : memref<!tpu.dma_semaphore, #tpu.memory_space<semaphore_mem>>)
    %dma_wait3A = arith.constant 0 : i32
    %dma_wait3A_61 = arith.constant 0 : i32
    %dma_wait3A_62 = arith.constant 0 : i32
    %dma_wait3A_63 = arith.constant 0 : i32
    %dma_wait3A_64 = tpu.memref_slice %arg6[%dma_wait3A_61, %dma_wait3A_62, %dma_wait3A_63] : memref<4x128x128xi32, #tpu.memory_space<vmem>> -> memref<1x128x128xi32, #tpu.memory_space<vmem>>
    %dma_wait3A_65 = tpu.memref_squeeze %dma_wait3A_64 : memref<1x128x128xi32, #tpu.memory_space<vmem>> -> memref<128x128xi32, #tpu.memory_space<vmem>>
    %dma_wait3A_66 = arith.constant 0 : i32
    %dma_wait3A_67 = tpu.memref_slice %arg5[%dma_wait3A, %dma_wait3A_66] : memref<4x128xi32, #tpu.memory_space<vmem>> -> memref<1x128xi32, #tpu.memory_space<vmem>>
    %dma_wait3A_68 = tpu.memref_squeeze %dma_wait3A_67 : memref<1x128xi32, #tpu.memory_space<vmem>> -> memref<128xi32, #tpu.memory_space<vmem>>
    %dma_wait3A_69 = arith.constant 0 : i32
    %dma_wait3A_70 = arith.constant 0 : i32
    %dma_wait3A_71 = tpu.memref_slice %arg3[%dma_wait3A_69, %dma_wait3A_70] : memref<258048x128xi32, #tpu.memory_space<hbm>> -> memref<258048x128xi32, #tpu.memory_space<hbm>>
    tpu.wait_indirect_dma semaphore(%arg7 : memref<!tpu.dma_semaphore, #tpu.memory_space<semaphore_mem>>) src(%dma_wait3A_71 : memref<258048x128xi32, #tpu.memory_space<hbm>>) dst(%dma_wait3A_65 : memref<128x128xi32, #tpu.memory_space<vmem>>)
    %dma_wait3A_72 = arith.constant 1 : i32
    %dma_wait3A_73 = arith.constant 1 : i32
    %dma_wait3A_74 = arith.constant 0 : i32
    %dma_wait3A_75 = arith.constant 0 : i32
    %dma_wait3A_76 = tpu.memref_slice %arg6[%dma_wait3A_73, %dma_wait3A_74, %dma_wait3A_75] : memref<4x128x128xi32, #tpu.memory_space<vmem>> -> memref<1x128x128xi32, #tpu.memory_space<vmem>>
    %dma_wait3A_77 = tpu.memref_squeeze %dma_wait3A_76 : memref<1x128x128xi32, #tpu.memory_space<vmem>> -> memref<128x128xi32, #tpu.memory_space<vmem>>
    %dma_wait3A_78 = arith.constant 0 : i32
    %dma_wait3A_79 = tpu.memref_slice %arg5[%dma_wait3A_72, %dma_wait3A_78] : memref<4x128xi32, #tpu.memory_space<vmem>> -> memref<1x128xi32, #tpu.memory_space<vmem>>
    %dma_wait3A_80 = tpu.memref_squeeze %dma_wait3A_79 : memref<1x128xi32, #tpu.memory_space<vmem>> -> memref<128xi32, #tpu.memory_space<vmem>>
    %dma_wait3A_81 = arith.constant 0 : i32
    %dma_wait3A_82 = arith.constant 0 : i32
    %dma_wait3A_83 = tpu.memref_slice %arg3[%dma_wait3A_81, %dma_wait3A_82] : memref<258048x128xi32, #tpu.memory_space<hbm>> -> memref<258048x128xi32, #tpu.memory_space<hbm>>
    tpu.wait_indirect_dma semaphore(%arg7 : memref<!tpu.dma_semaphore, #tpu.memory_space<semaphore_mem>>) src(%dma_wait3A_83 : memref<258048x128xi32, #tpu.memory_space<hbm>>) dst(%dma_wait3A_77 : memref<128x128xi32, #tpu.memory_space<vmem>>)
    %dma_wait3A_84 = arith.constant 2 : i32
    %dma_wait3A_85 = arith.constant 2 : i32
    %dma_wait3A_86 = arith.constant 0 : i32
    %dma_wait3A_87 = arith.constant 0 : i32
    %dma_wait3A_88 = tpu.memref_slice %arg6[%dma_wait3A_85, %dma_wait3A_86, %dma_wait3A_87] : memref<4x128x128xi32, #tpu.memory_space<vmem>> -> memref<1x128x128xi32, #tpu.memory_space<vmem>>
    %dma_wait3A_89 = tpu.memref_squeeze %dma_wait3A_88 : memref<1x128x128xi32, #tpu.memory_space<vmem>> -> memref<128x128xi32, #tpu.memory_space<vmem>>
    %dma_wait3A_90 = arith.constant 0 : i32
    %dma_wait3A_91 = tpu.memref_slice %arg5[%dma_wait3A_84, %dma_wait3A_90] : memref<4x128xi32, #tpu.memory_space<vmem>> -> memref<1x128xi32, #tpu.memory_space<vmem>>
    %dma_wait3A_92 = tpu.memref_squeeze %dma_wait3A_91 : memref<1x128xi32, #tpu.memory_space<vmem>> -> memref<128xi32, #tpu.memory_space<vmem>>
    %dma_wait3A_93 = arith.constant 0 : i32
    %dma_wait3A_94 = arith.constant 0 : i32
    %dma_wait3A_95 = tpu.memref_slice %arg3[%dma_wait3A_93, %dma_wait3A_94] : memref<258048x128xi32, #tpu.memory_space<hbm>> -> memref<258048x128xi32, #tpu.memory_space<hbm>>
    tpu.wait_indirect_dma semaphore(%arg7 : memref<!tpu.dma_semaphore, #tpu.memory_space<semaphore_mem>>) src(%dma_wait3A_95 : memref<258048x128xi32, #tpu.memory_space<hbm>>) dst(%dma_wait3A_89 : memref<128x128xi32, #tpu.memory_space<vmem>>)
    %dma_wait3A_96 = arith.constant 3 : i32
    %dma_wait3A_97 = arith.constant 3 : i32
    %dma_wait3A_98 = arith.constant 0 : i32
    %dma_wait3A_99 = arith.constant 0 : i32
    %dma_wait3A_100 = tpu.memref_slice %arg6[%dma_wait3A_97, %dma_wait3A_98, %dma_wait3A_99] : memref<4x128x128xi32, #tpu.memory_space<vmem>> -> memref<1x128x128xi32, #tpu.memory_space<vmem>>
    %dma_wait3A_101 = tpu.memref_squeeze %dma_wait3A_100 : memref<1x128x128xi32, #tpu.memory_space<vmem>> -> memref<128x128xi32, #tpu.memory_space<vmem>>
    %dma_wait3A_102 = arith.constant 0 : i32
    %dma_wait3A_103 = tpu.memref_slice %arg5[%dma_wait3A_96, %dma_wait3A_102] : memref<4x128xi32, #tpu.memory_space<vmem>> -> memref<1x128xi32, #tpu.memory_space<vmem>>
    %dma_wait3A_104 = tpu.memref_squeeze %dma_wait3A_103 : memref<1x128xi32, #tpu.memory_space<vmem>> -> memref<128xi32, #tpu.memory_space<vmem>>
    %dma_wait3A_105 = arith.constant 0 : i32
    %dma_wait3A_106 = arith.constant 0 : i32
    %dma_wait3A_107 = tpu.memref_slice %arg3[%dma_wait3A_105, %dma_wait3A_106] : memref<258048x128xi32, #tpu.memory_space<hbm>> -> memref<258048x128xi32, #tpu.memory_space<hbm>>
    tpu.wait_indirect_dma semaphore(%arg7 : memref<!tpu.dma_semaphore, #tpu.memory_space<semaphore_mem>>) src(%dma_wait3A_107 : memref<258048x128xi32, #tpu.memory_space<hbm>>) dst(%dma_wait3A_101 : memref<128x128xi32, #tpu.memory_space<vmem>>)
    %add3A_108 = arith.constant 0 : i32
    %add3A_109 = arith.addi %mul3A_2, %add3A_108 : i32
    %run_scoped3A_110 = arith.constant 0 : i32
    "tpu.region"() ({
      %run_scoped3A_120 = tpu.sem_alloc : memref<!tpu.dma_semaphore, #tpu.memory_space<semaphore_mem>>
      %dma_start3A_121 = arith.constant 0 : i32
      %dma_start3A_122 = arith.constant 0 : i32
      %dma_start3A_123 = tpu.memref_slice %arg6[%run_scoped3A_110, %dma_start3A_121, %dma_start3A_122] : memref<4x128x128xi32, #tpu.memory_space<vmem>> -> memref<1x128x128xi32, #tpu.memory_space<vmem>>
      %dma_start3A_124 = tpu.memref_squeeze %dma_start3A_123 : memref<1x128x128xi32, #tpu.memory_space<vmem>> -> memref<128x128xi32, #tpu.memory_space<vmem>>
      %dma_start3A_125 = arith.constant 0 : i32
      %dma_start3A_126 = tpu.memref_slice %arg4[%add3A_109, %dma_start3A_125] : memref<16384x128xi32, #tpu.memory_space<hbm>> -> memref<128x128xi32, #tpu.memory_space<hbm>>
      %dma_start3A_127 = arith.constant 0 : i32
      %dma_start3A_128 = tpu.memref_slice %arg4[%add3A_109, %dma_start3A_127] : memref<16384x128xi32, #tpu.memory_space<hbm>> -> memref<128x128xi32, #tpu.memory_space<hbm>>
      %dma_start3A_129 = arith.constant 0 : i32
      %dma_start3A_130 = arith.constant 0 : i32
      %dma_start3A_131 = tpu.memref_slice %arg6[%run_scoped3A_110, %dma_start3A_129, %dma_start3A_130] : memref<4x128x128xi32, #tpu.memory_space<vmem>> -> memref<1x128x128xi32, #tpu.memory_space<vmem>>
      %dma_start3A_132 = tpu.memref_squeeze %dma_start3A_131 : memref<1x128x128xi32, #tpu.memory_space<vmem>> -> memref<128x128xi32, #tpu.memory_space<vmem>>
      tpu.enqueue_dma source(%dma_start3A_132 : memref<128x128xi32, #tpu.memory_space<vmem>>) target(%dma_start3A_128 : memref<128x128xi32, #tpu.memory_space<hbm>>) target_semaphore(%run_scoped3A_120 : memref<!tpu.dma_semaphore, #tpu.memory_space<semaphore_mem>>)
      %dma_wait3A_133 = arith.constant 0 : i32
      %dma_wait3A_134 = arith.constant 0 : i32
      %dma_wait3A_135 = tpu.memref_slice %arg6[%run_scoped3A_110, %dma_wait3A_133, %dma_wait3A_134] : memref<4x128x128xi32, #tpu.memory_space<vmem>> -> memref<1x128x128xi32, #tpu.memory_space<vmem>>
      %dma_wait3A_136 = tpu.memref_squeeze %dma_wait3A_135 : memref<1x128x128xi32, #tpu.memory_space<vmem>> -> memref<128x128xi32, #tpu.memory_space<vmem>>
      %dma_wait3A_137 = arith.constant 0 : i32
      %dma_wait3A_138 = tpu.memref_slice %arg4[%add3A_109, %dma_wait3A_137] : memref<16384x128xi32, #tpu.memory_space<hbm>> -> memref<128x128xi32, #tpu.memory_space<hbm>>
      %dma_wait3A_139 = arith.constant 0 : i32
      %dma_wait3A_140 = tpu.memref_slice %arg4[%add3A_109, %dma_wait3A_139] : memref<16384x128xi32, #tpu.memory_space<hbm>> -> memref<128x128xi32, #tpu.memory_space<hbm>>
      %dma_wait3A_141 = arith.constant 0 : i32
      %dma_wait3A_142 = arith.constant 0 : i32
      %dma_wait3A_143 = tpu.memref_slice %arg6[%run_scoped3A_110, %dma_wait3A_141, %dma_wait3A_142] : memref<4x128x128xi32, #tpu.memory_space<vmem>> -> memref<1x128x128xi32, #tpu.memory_space<vmem>>
      %dma_wait3A_144 = tpu.memref_squeeze %dma_wait3A_143 : memref<1x128x128xi32, #tpu.memory_space<vmem>> -> memref<128x128xi32, #tpu.memory_space<vmem>>
      tpu.wait_dma2 semaphore(%run_scoped3A_120 : memref<!tpu.dma_semaphore, #tpu.memory_space<semaphore_mem>>) src(%dma_wait3A_144 : memref<128x128xi32, #tpu.memory_space<vmem>>) dst(%dma_wait3A_140 : memref<128x128xi32, #tpu.memory_space<hbm>>)
      tpu.yield
    }) : () -> ()
    %add3A_111 = arith.constant 128 : i32
    %add3A_112 = arith.addi %mul3A_2, %add3A_111 : i32
    %run_scoped3A_113 = arith.constant 1 : i32
    "tpu.region"() ({
      %run_scoped3A_120 = tpu.sem_alloc : memref<!tpu.dma_semaphore, #tpu.memory_space<semaphore_mem>>
      %dma_start3A_121 = arith.constant 0 : i32
      %dma_start3A_122 = arith.constant 0 : i32
      %dma_start3A_123 = tpu.memref_slice %arg6[%run_scoped3A_113, %dma_start3A_121, %dma_start3A_122] : memref<4x128x128xi32, #tpu.memory_space<vmem>> -> memref<1x128x128xi32, #tpu.memory_space<vmem>>
      %dma_start3A_124 = tpu.memref_squeeze %dma_start3A_123 : memref<1x128x128xi32, #tpu.memory_space<vmem>> -> memref<128x128xi32, #tpu.memory_space<vmem>>
      %dma_start3A_125 = arith.constant 0 : i32
      %dma_start3A_126 = tpu.memref_slice %arg4[%add3A_112, %dma_start3A_125] : memref<16384x128xi32, #tpu.memory_space<hbm>> -> memref<128x128xi32, #tpu.memory_space<hbm>>
      %dma_start3A_127 = arith.constant 0 : i32
      %dma_start3A_128 = tpu.memref_slice %arg4[%add3A_112, %dma_start3A_127] : memref<16384x128xi32, #tpu.memory_space<hbm>> -> memref<128x128xi32, #tpu.memory_space<hbm>>
      %dma_start3A_129 = arith.constant 0 : i32
      %dma_start3A_130 = arith.constant 0 : i32
      %dma_start3A_131 = tpu.memref_slice %arg6[%run_scoped3A_113, %dma_start3A_129, %dma_start3A_130] : memref<4x128x128xi32, #tpu.memory_space<vmem>> -> memref<1x128x128xi32, #tpu.memory_space<vmem>>
      %dma_start3A_132 = tpu.memref_squeeze %dma_start3A_131 : memref<1x128x128xi32, #tpu.memory_space<vmem>> -> memref<128x128xi32, #tpu.memory_space<vmem>>
      tpu.enqueue_dma source(%dma_start3A_132 : memref<128x128xi32, #tpu.memory_space<vmem>>) target(%dma_start3A_128 : memref<128x128xi32, #tpu.memory_space<hbm>>) target_semaphore(%run_scoped3A_120 : memref<!tpu.dma_semaphore, #tpu.memory_space<semaphore_mem>>)
      %dma_wait3A_133 = arith.constant 0 : i32
      %dma_wait3A_134 = arith.constant 0 : i32
      %dma_wait3A_135 = tpu.memref_slice %arg6[%run_scoped3A_113, %dma_wait3A_133, %dma_wait3A_134] : memref<4x128x128xi32, #tpu.memory_space<vmem>> -> memref<1x128x128xi32, #tpu.memory_space<vmem>>
      %dma_wait3A_136 = tpu.memref_squeeze %dma_wait3A_135 : memref<1x128x128xi32, #tpu.memory_space<vmem>> -> memref<128x128xi32, #tpu.memory_space<vmem>>
      %dma_wait3A_137 = arith.constant 0 : i32
      %dma_wait3A_138 = tpu.memref_slice %arg4[%add3A_112, %dma_wait3A_137] : memref<16384x128xi32, #tpu.memory_space<hbm>> -> memref<128x128xi32, #tpu.memory_space<hbm>>
      %dma_wait3A_139 = arith.constant 0 : i32
      %dma_wait3A_140 = tpu.memref_slice %arg4[%add3A_112, %dma_wait3A_139] : memref<16384x128xi32, #tpu.memory_space<hbm>> -> memref<128x128xi32, #tpu.memory_space<hbm>>
      %dma_wait3A_141 = arith.constant 0 : i32
      %dma_wait3A_142 = arith.constant 0 : i32
      %dma_wait3A_143 = tpu.memref_slice %arg6[%run_scoped3A_113, %dma_wait3A_141, %dma_wait3A_142] : memref<4x128x128xi32, #tpu.memory_space<vmem>> -> memref<1x128x128xi32, #tpu.memory_space<vmem>>
      %dma_wait3A_144 = tpu.memref_squeeze %dma_wait3A_143 : memref<1x128x128xi32, #tpu.memory_space<vmem>> -> memref<128x128xi32, #tpu.memory_space<vmem>>
      tpu.wait_dma2 semaphore(%run_scoped3A_120 : memref<!tpu.dma_semaphore, #tpu.memory_space<semaphore_mem>>) src(%dma_wait3A_144 : memref<128x128xi32, #tpu.memory_space<vmem>>) dst(%dma_wait3A_140 : memref<128x128xi32, #tpu.memory_space<hbm>>)
      tpu.yield
    }) : () -> ()
    %add3A_114 = arith.constant 256 : i32
    %add3A_115 = arith.addi %mul3A_2, %add3A_114 : i32
    %run_scoped3A_116 = arith.constant 2 : i32
    "tpu.region"() ({
      %run_scoped3A_120 = tpu.sem_alloc : memref<!tpu.dma_semaphore, #tpu.memory_space<semaphore_mem>>
      %dma_start3A_121 = arith.constant 0 : i32
      %dma_start3A_122 = arith.constant 0 : i32
      %dma_start3A_123 = tpu.memref_slice %arg6[%run_scoped3A_116, %dma_start3A_121, %dma_start3A_122] : memref<4x128x128xi32, #tpu.memory_space<vmem>> -> memref<1x128x128xi32, #tpu.memory_space<vmem>>
      %dma_start3A_124 = tpu.memref_squeeze %dma_start3A_123 : memref<1x128x128xi32, #tpu.memory_space<vmem>> -> memref<128x128xi32, #tpu.memory_space<vmem>>
      %dma_start3A_125 = arith.constant 0 : i32
      %dma_start3A_126 = tpu.memref_slice %arg4[%add3A_115, %dma_start3A_125] : memref<16384x128xi32, #tpu.memory_space<hbm>> -> memref<128x128xi32, #tpu.memory_space<hbm>>
      %dma_start3A_127 = arith.constant 0 : i32
      %dma_start3A_128 = tpu.memref_slice %arg4[%add3A_115, %dma_start3A_127] : memref<16384x128xi32, #tpu.memory_space<hbm>> -> memref<128x128xi32, #tpu.memory_space<hbm>>
      %dma_start3A_129 = arith.constant 0 : i32
      %dma_start3A_130 = arith.constant 0 : i32
      %dma_start3A_131 = tpu.memref_slice %arg6[%run_scoped3A_116, %dma_start3A_129, %dma_start3A_130] : memref<4x128x128xi32, #tpu.memory_space<vmem>> -> memref<1x128x128xi32, #tpu.memory_space<vmem>>
      %dma_start3A_132 = tpu.memref_squeeze %dma_start3A_131 : memref<1x128x128xi32, #tpu.memory_space<vmem>> -> memref<128x128xi32, #tpu.memory_space<vmem>>
      tpu.enqueue_dma source(%dma_start3A_132 : memref<128x128xi32, #tpu.memory_space<vmem>>) target(%dma_start3A_128 : memref<128x128xi32, #tpu.memory_space<hbm>>) target_semaphore(%run_scoped3A_120 : memref<!tpu.dma_semaphore, #tpu.memory_space<semaphore_mem>>)
      %dma_wait3A_133 = arith.constant 0 : i32
      %dma_wait3A_134 = arith.constant 0 : i32
      %dma_wait3A_135 = tpu.memref_slice %arg6[%run_scoped3A_116, %dma_wait3A_133, %dma_wait3A_134] : memref<4x128x128xi32, #tpu.memory_space<vmem>> -> memref<1x128x128xi32, #tpu.memory_space<vmem>>
      %dma_wait3A_136 = tpu.memref_squeeze %dma_wait3A_135 : memref<1x128x128xi32, #tpu.memory_space<vmem>> -> memref<128x128xi32, #tpu.memory_space<vmem>>
      %dma_wait3A_137 = arith.constant 0 : i32
      %dma_wait3A_138 = tpu.memref_slice %arg4[%add3A_115, %dma_wait3A_137] : memref<16384x128xi32, #tpu.memory_space<hbm>> -> memref<128x128xi32, #tpu.memory_space<hbm>>
      %dma_wait3A_139 = arith.constant 0 : i32
      %dma_wait3A_140 = tpu.memref_slice %arg4[%add3A_115, %dma_wait3A_139] : memref<16384x128xi32, #tpu.memory_space<hbm>> -> memref<128x128xi32, #tpu.memory_space<hbm>>
      %dma_wait3A_141 = arith.constant 0 : i32
      %dma_wait3A_142 = arith.constant 0 : i32
      %dma_wait3A_143 = tpu.memref_slice %arg6[%run_scoped3A_116, %dma_wait3A_141, %dma_wait3A_142] : memref<4x128x128xi32, #tpu.memory_space<vmem>> -> memref<1x128x128xi32, #tpu.memory_space<vmem>>
      %dma_wait3A_144 = tpu.memref_squeeze %dma_wait3A_143 : memref<1x128x128xi32, #tpu.memory_space<vmem>> -> memref<128x128xi32, #tpu.memory_space<vmem>>
      tpu.wait_dma2 semaphore(%run_scoped3A_120 : memref<!tpu.dma_semaphore, #tpu.memory_space<semaphore_mem>>) src(%dma_wait3A_144 : memref<128x128xi32, #tpu.memory_space<vmem>>) dst(%dma_wait3A_140 : memref<128x128xi32, #tpu.memory_space<hbm>>)
      tpu.yield
    }) : () -> ()
    %add3A_117 = arith.constant 384 : i32
    %add3A_118 = arith.addi %mul3A_2, %add3A_117 : i32
    %run_scoped3A_119 = arith.constant 3 : i32
    "tpu.region"() ({
      %run_scoped3A_120 = tpu.sem_alloc : memref<!tpu.dma_semaphore, #tpu.memory_space<semaphore_mem>>
      %dma_start3A_121 = arith.constant 0 : i32
      %dma_start3A_122 = arith.constant 0 : i32
      %dma_start3A_123 = tpu.memref_slice %arg6[%run_scoped3A_119, %dma_start3A_121, %dma_start3A_122] : memref<4x128x128xi32, #tpu.memory_space<vmem>> -> memref<1x128x128xi32, #tpu.memory_space<vmem>>
      %dma_start3A_124 = tpu.memref_squeeze %dma_start3A_123 : memref<1x128x128xi32, #tpu.memory_space<vmem>> -> memref<128x128xi32, #tpu.memory_space<vmem>>
      %dma_start3A_125 = arith.constant 0 : i32
      %dma_start3A_126 = tpu.memref_slice %arg4[%add3A_118, %dma_start3A_125] : memref<16384x128xi32, #tpu.memory_space<hbm>> -> memref<128x128xi32, #tpu.memory_space<hbm>>
      %dma_start3A_127 = arith.constant 0 : i32
      %dma_start3A_128 = tpu.memref_slice %arg4[%add3A_118, %dma_start3A_127] : memref<16384x128xi32, #tpu.memory_space<hbm>> -> memref<128x128xi32, #tpu.memory_space<hbm>>
      %dma_start3A_129 = arith.constant 0 : i32
      %dma_start3A_130 = arith.constant 0 : i32
      %dma_start3A_131 = tpu.memref_slice %arg6[%run_scoped3A_119, %dma_start3A_129, %dma_start3A_130] : memref<4x128x128xi32, #tpu.memory_space<vmem>> -> memref<1x128x128xi32, #tpu.memory_space<vmem>>
      %dma_start3A_132 = tpu.memref_squeeze %dma_start3A_131 : memref<1x128x128xi32, #tpu.memory_space<vmem>> -> memref<128x128xi32, #tpu.memory_space<vmem>>
      tpu.enqueue_dma source(%dma_start3A_132 : memref<128x128xi32, #tpu.memory_space<vmem>>) target(%dma_start3A_128 : memref<128x128xi32, #tpu.memory_space<hbm>>) target_semaphore(%run_scoped3A_120 : memref<!tpu.dma_semaphore, #tpu.memory_space<semaphore_mem>>)
      %dma_wait3A_133 = arith.constant 0 : i32
      %dma_wait3A_134 = arith.constant 0 : i32
      %dma_wait3A_135 = tpu.memref_slice %arg6[%run_scoped3A_119, %dma_wait3A_133, %dma_wait3A_134] : memref<4x128x128xi32, #tpu.memory_space<vmem>> -> memref<1x128x128xi32, #tpu.memory_space<vmem>>
      %dma_wait3A_136 = tpu.memref_squeeze %dma_wait3A_135 : memref<1x128x128xi32, #tpu.memory_space<vmem>> -> memref<128x128xi32, #tpu.memory_space<vmem>>
      %dma_wait3A_137 = arith.constant 0 : i32
      %dma_wait3A_138 = tpu.memref_slice %arg4[%add3A_118, %dma_wait3A_137] : memref<16384x128xi32, #tpu.memory_space<hbm>> -> memref<128x128xi32, #tpu.memory_space<hbm>>
      %dma_wait3A_139 = arith.constant 0 : i32
      %dma_wait3A_140 = tpu.memref_slice %arg4[%add3A_118, %dma_wait3A_139] : memref<16384x128xi32, #tpu.memory_space<hbm>> -> memref<128x128xi32, #tpu.memory_space<hbm>>
      %dma_wait3A_141 = arith.constant 0 : i32
      %dma_wait3A_142 = arith.constant 0 : i32
      %dma_wait3A_143 = tpu.memref_slice %arg6[%run_scoped3A_119, %dma_wait3A_141, %dma_wait3A_142] : memref<4x128x128xi32, #tpu.memory_space<vmem>> -> memref<1x128x128xi32, #tpu.memory_space<vmem>>
      %dma_wait3A_144 = tpu.memref_squeeze %dma_wait3A_143 : memref<1x128x128xi32, #tpu.memory_space<vmem>> -> memref<128x128xi32, #tpu.memory_space<vmem>>
      tpu.wait_dma2 semaphore(%run_scoped3A_120 : memref<!tpu.dma_semaphore, #tpu.memory_space<semaphore_mem>>) src(%dma_wait3A_144 : memref<128x128xi32, #tpu.memory_space<vmem>>) dst(%dma_wait3A_140 : memref<128x128xi32, #tpu.memory_space<hbm>>)
      tpu.yield
    }) : () -> ()
    return
  }
}

module attributes {stable_mosaic.version = 14 : i64} {
  func.func @_pack_body(%arg0: i32, %arg1: memref<64x57344xf32, #tpu.memory_space<vmem>>, %arg2: memref<14336x128xi32, #tpu.memory_space<vmem>>) attributes {dimension_semantics = [#tpu.dimension_semantics<arbitrary>], iteration_bounds = array<i64: 2>, scalar_prefetch = 0 : i64, scratch_operands = 0 : i64, tpu.core_type = #tpu.core_type<tc>, window_params = [{transform_indices = @transform_0, window_bounds = array<i64: 64, 57344>}, {transform_indices = @transform_1, window_bounds = array<i64: 14336, 128>}]} {
    %iota3A = tpu.iota {dimensions = array<i32: 0>} : vector<64x64xi32>
    %iota3A_0 = tpu.iota {dimensions = array<i32: 1>} : vector<64x64xi32>
    %eq3A = arith.cmpi eq, %iota3A, %iota3A_0 : vector<64x64xi32>
    %convert_element_type3A = arith.extui %eq3A : vector<64x64xi1> to vector<64x64xi32>
    %convert_element_type3A_1 = arith.sitofp %convert_element_type3A : vector<64x64xi32> to vector<64x64xf32>
    %convert_element_type3A_2 = arith.truncf %convert_element_type3A_1 : vector<64x64xf32> to vector<64x64xbf16>
    %get3A = arith.constant 0 : index
    %get3A_3 = arith.constant 0 : index
    %get3A_4 = vector.load %arg1[%get3A, %get3A_3] : memref<64x57344xf32, #tpu.memory_space<vmem>>, vector<64x14336xf32>
    %convert_element_type3A_5 = arith.truncf %get3A_4 : vector<64x14336xf32> to vector<64x14336xbf16>
    %dot_general3A = arith.constant dense<0.000000e+00> : vector<14336x64xf32>
    %dot_general3A_6 = tpu.matmul %convert_element_type3A_5, %convert_element_type3A_2, %dot_general3A {dimension_numbers = #tpu.dot_dimension_numbers<[0], [0], [1], [1], [0, 1, 1, 1], [], []>, transpose_lhs_hint = false} : vector<64x14336xbf16>, vector<64x64xbf16>, vector<14336x64xf32> -> vector<14336x64xf32>
    %bitcast_convert_type3A = tpu.bitcast %dot_general3A_6 : vector<14336x64xf32> -> vector<14336x64xi32>
    %get3A_7 = arith.constant 0 : index
    %get3A_8 = arith.constant 14336 : index
    %get3A_9 = vector.load %arg1[%get3A_7, %get3A_8] : memref<64x57344xf32, #tpu.memory_space<vmem>>, vector<64x14336xf32>
    %convert_element_type3A_10 = arith.truncf %get3A_9 : vector<64x14336xf32> to vector<64x14336xbf16>
    %dot_general3A_11 = arith.constant dense<0.000000e+00> : vector<14336x64xf32>
    %dot_general3A_12 = tpu.matmul %convert_element_type3A_10, %convert_element_type3A_2, %dot_general3A_11 {dimension_numbers = #tpu.dot_dimension_numbers<[0], [0], [1], [1], [0, 1, 1, 1], [], []>, transpose_lhs_hint = false} : vector<64x14336xbf16>, vector<64x64xbf16>, vector<14336x64xf32> -> vector<14336x64xf32>
    %bitcast_convert_type3A_13 = tpu.bitcast %dot_general3A_12 : vector<14336x64xf32> -> vector<14336x64xi32>
    %get3A_14 = arith.constant 0 : index
    %get3A_15 = arith.constant 28672 : index
    %get3A_16 = vector.load %arg1[%get3A_14, %get3A_15] : memref<64x57344xf32, #tpu.memory_space<vmem>>, vector<64x14336xf32>
    %convert_element_type3A_17 = arith.truncf %get3A_16 : vector<64x14336xf32> to vector<64x14336xbf16>
    %dot_general3A_18 = arith.constant dense<0.000000e+00> : vector<14336x64xf32>
    %dot_general3A_19 = tpu.matmul %convert_element_type3A_17, %convert_element_type3A_2, %dot_general3A_18 {dimension_numbers = #tpu.dot_dimension_numbers<[0], [0], [1], [1], [0, 1, 1, 1], [], []>, transpose_lhs_hint = false} : vector<64x14336xbf16>, vector<64x64xbf16>, vector<14336x64xf32> -> vector<14336x64xf32>
    %bitcast_convert_type3A_20 = tpu.bitcast %dot_general3A_19 : vector<14336x64xf32> -> vector<14336x64xi32>
    %get3A_21 = arith.constant 0 : index
    %get3A_22 = arith.constant 43008 : index
    %get3A_23 = vector.load %arg1[%get3A_21, %get3A_22] : memref<64x57344xf32, #tpu.memory_space<vmem>>, vector<64x14336xf32>
    %convert_element_type3A_24 = arith.truncf %get3A_23 : vector<64x14336xf32> to vector<64x14336xbf16>
    %dot_general3A_25 = arith.constant dense<0.000000e+00> : vector<14336x64xf32>
    %dot_general3A_26 = tpu.matmul %convert_element_type3A_24, %convert_element_type3A_2, %dot_general3A_25 {dimension_numbers = #tpu.dot_dimension_numbers<[0], [0], [1], [1], [0, 1, 1, 1], [], []>, transpose_lhs_hint = false} : vector<64x14336xbf16>, vector<64x64xbf16>, vector<14336x64xf32> -> vector<14336x64xf32>
    %bitcast_convert_type3A_27 = tpu.bitcast %dot_general3A_26 : vector<14336x64xf32> -> vector<14336x64xi32>
    %shift_right_logical3A = arith.constant 16 : i32
    %shift_right_logical3A_28 = vector.broadcast %shift_right_logical3A : i32 to vector<14336x64xi32>
    %shift_right_logical3A_29 = arith.shrui %bitcast_convert_type3A, %shift_right_logical3A_28 : vector<14336x64xi32>
    %and3A = arith.constant 65535 : i32
    %and3A_30 = vector.broadcast %and3A : i32 to vector<14336x64xi32>
    %and3A_31 = arith.andi %shift_right_logical3A_29, %and3A_30 : vector<14336x64xi32>
    %and3A_32 = arith.constant -65536 : i32
    %and3A_33 = vector.broadcast %and3A_32 : i32 to vector<14336x64xi32>
    %and3A_34 = arith.andi %bitcast_convert_type3A_13, %and3A_33 : vector<14336x64xi32>
    %or3A = arith.ori %and3A_31, %and3A_34 : vector<14336x64xi32>
    %shift_right_logical3A_35 = arith.constant 16 : i32
    %shift_right_logical3A_36 = vector.broadcast %shift_right_logical3A_35 : i32 to vector<14336x64xi32>
    %shift_right_logical3A_37 = arith.shrui %bitcast_convert_type3A_20, %shift_right_logical3A_36 : vector<14336x64xi32>
    %and3A_38 = arith.constant 65535 : i32
    %and3A_39 = vector.broadcast %and3A_38 : i32 to vector<14336x64xi32>
    %and3A_40 = arith.andi %shift_right_logical3A_37, %and3A_39 : vector<14336x64xi32>
    %and3A_41 = arith.constant -65536 : i32
    %and3A_42 = vector.broadcast %and3A_41 : i32 to vector<14336x64xi32>
    %and3A_43 = arith.andi %bitcast_convert_type3A_27, %and3A_42 : vector<14336x64xi32>
    %or3A_44 = arith.ori %and3A_40, %and3A_43 : vector<14336x64xi32>
    %concatenate3A = tpu.concatenate %or3A, %or3A_44 in 1 : vector<14336x64xi32>, vector<14336x64xi32> -> vector<14336x128xi32>
    %swap3A = arith.constant 0 : index
    %swap3A_45 = arith.constant 0 : index
    %swap3A_46 = vector.load %arg2[%swap3A, %swap3A_45] : memref<14336x128xi32, #tpu.memory_space<vmem>>, vector<14336x128xi32>
    tpu.vector_store %arg2[%swap3A, %swap3A_45], %concatenate3A {strides = array<i32>} : memref<14336x128xi32, #tpu.memory_space<vmem>>, vector<14336x128xi32>,
    return
  }
  func.func @transform_0(%arg0: i32) -> (i32, i32) {
    %c0_i32 = arith.constant 0 : i32
    %c0_i32_0 = arith.constant 0 : i32
    return %c0_i32, %arg0 : i32, i32
  }
  func.func @transform_1(%arg0: i32) -> (i32, i32) {
    %c0_i32 = arith.constant 0 : i32
    %c0_i32_0 = arith.constant 0 : i32
    return %arg0, %c0_i32 : i32, i32
  }
}

module attributes {stable_mosaic.version = 14 : i64} {
  func.func @_pack_body(%arg0: i32, %arg1: memref<64x57344xf32, #tpu.memory_space<vmem>>, %arg2: memref<14336x128xi32, #tpu.memory_space<vmem>>) attributes {dimension_semantics = [#tpu.dimension_semantics<arbitrary>], iteration_bounds = array<i64: 18>, scalar_prefetch = 0 : i64, scratch_operands = 0 : i64, tpu.core_type = #tpu.core_type<tc>, window_params = [{transform_indices = @transform_0, window_bounds = array<i64: 64, 57344>}, {transform_indices = @transform_1, window_bounds = array<i64: 14336, 128>}]} {
    %iota3A = tpu.iota {dimensions = array<i32: 0>} : vector<64x64xi32>
    %iota3A_0 = tpu.iota {dimensions = array<i32: 1>} : vector<64x64xi32>
    %eq3A = arith.cmpi eq, %iota3A, %iota3A_0 : vector<64x64xi32>
    %convert_element_type3A = arith.extui %eq3A : vector<64x64xi1> to vector<64x64xi32>
    %convert_element_type3A_1 = arith.sitofp %convert_element_type3A : vector<64x64xi32> to vector<64x64xf32>
    %convert_element_type3A_2 = arith.truncf %convert_element_type3A_1 : vector<64x64xf32> to vector<64x64xbf16>
    %get3A = arith.constant 0 : index
    %get3A_3 = arith.constant 0 : index
    %get3A_4 = vector.load %arg1[%get3A, %get3A_3] : memref<64x57344xf32, #tpu.memory_space<vmem>>, vector<64x14336xf32>
    %convert_element_type3A_5 = arith.truncf %get3A_4 : vector<64x14336xf32> to vector<64x14336xbf16>
    %dot_general3A = arith.constant dense<0.000000e+00> : vector<14336x64xf32>
    %dot_general3A_6 = tpu.matmul %convert_element_type3A_5, %convert_element_type3A_2, %dot_general3A {dimension_numbers = #tpu.dot_dimension_numbers<[0], [0], [1], [1], [0, 1, 1, 1], [], []>, transpose_lhs_hint = false} : vector<64x14336xbf16>, vector<64x64xbf16>, vector<14336x64xf32> -> vector<14336x64xf32>
    %bitcast_convert_type3A = tpu.bitcast %dot_general3A_6 : vector<14336x64xf32> -> vector<14336x64xi32>
    %get3A_7 = arith.constant 0 : index
    %get3A_8 = arith.constant 14336 : index
    %get3A_9 = vector.load %arg1[%get3A_7, %get3A_8] : memref<64x57344xf32, #tpu.memory_space<vmem>>, vector<64x14336xf32>
    %convert_element_type3A_10 = arith.truncf %get3A_9 : vector<64x14336xf32> to vector<64x14336xbf16>
    %dot_general3A_11 = arith.constant dense<0.000000e+00> : vector<14336x64xf32>
    %dot_general3A_12 = tpu.matmul %convert_element_type3A_10, %convert_element_type3A_2, %dot_general3A_11 {dimension_numbers = #tpu.dot_dimension_numbers<[0], [0], [1], [1], [0, 1, 1, 1], [], []>, transpose_lhs_hint = false} : vector<64x14336xbf16>, vector<64x64xbf16>, vector<14336x64xf32> -> vector<14336x64xf32>
    %bitcast_convert_type3A_13 = tpu.bitcast %dot_general3A_12 : vector<14336x64xf32> -> vector<14336x64xi32>
    %get3A_14 = arith.constant 0 : index
    %get3A_15 = arith.constant 28672 : index
    %get3A_16 = vector.load %arg1[%get3A_14, %get3A_15] : memref<64x57344xf32, #tpu.memory_space<vmem>>, vector<64x14336xf32>
    %convert_element_type3A_17 = arith.truncf %get3A_16 : vector<64x14336xf32> to vector<64x14336xbf16>
    %dot_general3A_18 = arith.constant dense<0.000000e+00> : vector<14336x64xf32>
    %dot_general3A_19 = tpu.matmul %convert_element_type3A_17, %convert_element_type3A_2, %dot_general3A_18 {dimension_numbers = #tpu.dot_dimension_numbers<[0], [0], [1], [1], [0, 1, 1, 1], [], []>, transpose_lhs_hint = false} : vector<64x14336xbf16>, vector<64x64xbf16>, vector<14336x64xf32> -> vector<14336x64xf32>
    %bitcast_convert_type3A_20 = tpu.bitcast %dot_general3A_19 : vector<14336x64xf32> -> vector<14336x64xi32>
    %get3A_21 = arith.constant 0 : index
    %get3A_22 = arith.constant 43008 : index
    %get3A_23 = vector.load %arg1[%get3A_21, %get3A_22] : memref<64x57344xf32, #tpu.memory_space<vmem>>, vector<64x14336xf32>
    %convert_element_type3A_24 = arith.truncf %get3A_23 : vector<64x14336xf32> to vector<64x14336xbf16>
    %dot_general3A_25 = arith.constant dense<0.000000e+00> : vector<14336x64xf32>
    %dot_general3A_26 = tpu.matmul %convert_element_type3A_24, %convert_element_type3A_2, %dot_general3A_25 {dimension_numbers = #tpu.dot_dimension_numbers<[0], [0], [1], [1], [0, 1, 1, 1], [], []>, transpose_lhs_hint = false} : vector<64x14336xbf16>, vector<64x64xbf16>, vector<14336x64xf32> -> vector<14336x64xf32>
    %bitcast_convert_type3A_27 = tpu.bitcast %dot_general3A_26 : vector<14336x64xf32> -> vector<14336x64xi32>
    %shift_right_logical3A = arith.constant 16 : i32
    %shift_right_logical3A_28 = vector.broadcast %shift_right_logical3A : i32 to vector<14336x64xi32>
    %shift_right_logical3A_29 = arith.shrui %bitcast_convert_type3A, %shift_right_logical3A_28 : vector<14336x64xi32>
    %and3A = arith.constant 65535 : i32
    %and3A_30 = vector.broadcast %and3A : i32 to vector<14336x64xi32>
    %and3A_31 = arith.andi %shift_right_logical3A_29, %and3A_30 : vector<14336x64xi32>
    %and3A_32 = arith.constant -65536 : i32
    %and3A_33 = vector.broadcast %and3A_32 : i32 to vector<14336x64xi32>
    %and3A_34 = arith.andi %bitcast_convert_type3A_13, %and3A_33 : vector<14336x64xi32>
    %or3A = arith.ori %and3A_31, %and3A_34 : vector<14336x64xi32>
    %shift_right_logical3A_35 = arith.constant 16 : i32
    %shift_right_logical3A_36 = vector.broadcast %shift_right_logical3A_35 : i32 to vector<14336x64xi32>
    %shift_right_logical3A_37 = arith.shrui %bitcast_convert_type3A_20, %shift_right_logical3A_36 : vector<14336x64xi32>
    %and3A_38 = arith.constant 65535 : i32
    %and3A_39 = vector.broadcast %and3A_38 : i32 to vector<14336x64xi32>
    %and3A_40 = arith.andi %shift_right_logical3A_37, %and3A_39 : vector<14336x64xi32>
    %and3A_41 = arith.constant -65536 : i32
    %and3A_42 = vector.broadcast %and3A_41 : i32 to vector<14336x64xi32>
    %and3A_43 = arith.andi %bitcast_convert_type3A_27, %and3A_42 : vector<14336x64xi32>
    %or3A_44 = arith.ori %and3A_40, %and3A_43 : vector<14336x64xi32>
    %concatenate3A = tpu.concatenate %or3A, %or3A_44 in 1 : vector<14336x64xi32>, vector<14336x64xi32> -> vector<14336x128xi32>
    %swap3A = arith.constant 0 : index
    %swap3A_45 = arith.constant 0 : index
    %swap3A_46 = vector.load %arg2[%swap3A, %swap3A_45] : memref<14336x128xi32, #tpu.memory_space<vmem>>, vector<14336x128xi32>
    tpu.vector_store %arg2[%swap3A, %swap3A_45], %concatenate3A {strides = array<i32>} : memref<14336x128xi32, #tpu.memory_space<vmem>>, vector<14336x128xi32>,
    return
  }
  func.func @transform_0(%arg0: i32) -> (i32, i32) {
    %c0_i32 = arith.constant 0 : i32
    %c0_i32_0 = arith.constant 0 : i32
    return %c0_i32, %arg0 : i32, i32
  }
  func.func @transform_1(%arg0: i32) -> (i32, i32) {
    %c0_i32 = arith.constant 0 : i32
    %c0_i32_0 = arith.constant 0 : i32
    return %arg0, %c0_i32 : i32, i32
  }
}

module attributes {stable_mosaic.version = 14 : i64} {
  func.func @_mlp_body(%arg0: i32, %arg1: memref<4096x128xi32, #tpu.memory_space<vmem>>, %arg2: memref<4096x128xi32, #tpu.memory_space<vmem>>, %arg3: memref<4096x4xf32, #tpu.memory_space<vmem>>, %arg4: memref<128x64xf32, #tpu.memory_space<vmem>>, %arg5: memref<128x64xf32, #tpu.memory_space<vmem>>, %arg6: memref<1x128xf32, #tpu.memory_space<vmem>>, %arg7: memref<64x128xf32, #tpu.memory_space<vmem>>, %arg8: memref<1x64xf32, #tpu.memory_space<vmem>>, %arg9: memref<1x64xf32, #tpu.memory_space<vmem>>, %arg10: memref<1x1xf32, #tpu.memory_space<vmem>>, %arg11: memref<4096x1xf32, #tpu.memory_space<vmem>>) attributes {dimension_semantics = [#tpu.dimension_semantics<arbitrary>], iteration_bounds = array<i64: 4>, scalar_prefetch = 0 : i64, scratch_operands = 0 : i64, tpu.core_type = #tpu.core_type<tc>, window_params = [{transform_indices = @transform_0, window_bounds = array<i64: 4096, 128>}, {transform_indices = @transform_1, window_bounds = array<i64: 4096, 128>}, {transform_indices = @transform_2, window_bounds = array<i64: 4096, 4>}, {pipeline_mode = #tpu.pipeline_mode<synchronous>, transform_indices = @transform_3, window_bounds = array<i64: 128, 64>}, {pipeline_mode = #tpu.pipeline_mode<synchronous>, transform_indices = @transform_4, window_bounds = array<i64: 128, 64>}, {pipeline_mode = #tpu.pipeline_mode<synchronous>, transform_indices = @transform_5, window_bounds = array<i64: 1, 128>}, {pipeline_mode = #tpu.pipeline_mode<synchronous>, transform_indices = @transform_6, window_bounds = array<i64: 64, 128>}, {pipeline_mode = #tpu.pipeline_mode<synchronous>, transform_indices = @transform_7, window_bounds = array<i64: 1, 64>}, {pipeline_mode = #tpu.pipeline_mode<synchronous>, transform_indices = @transform_8, window_bounds = array<i64: 1, 64>}, {pipeline_mode = #tpu.pipeline_mode<synchronous>, transform_indices = @transform_9, window_bounds = array<i64: 1, 1>}, {transform_indices = @transform_10, window_bounds = array<i64: 4096, 1>}]} {
    %iota3A = tpu.iota {dimensions = array<i32: 0>} : vector<4x256xi32>
    %iota3A_0 = tpu.iota {dimensions = array<i32: 1>} : vector<4x256xi32>
    %jit3A = arith.constant 64 : i32
    %div3A = vector.broadcast %jit3A : i32 to vector<4x256xi32>
    %div3A_1 = arith.divsi %iota3A_0, %div3A : vector<4x256xi32>
    %sign3A = arith.constant 0 : i32
    %sign3A_2 = vector.broadcast %sign3A : i32 to vector<4x256xi32>
    %sign3A_3 = arith.cmpi sgt, %iota3A_0, %sign3A_2 : vector<4x256xi32>
    %sign3A_4 = arith.extui %sign3A_3 : vector<4x256xi1> to vector<4x256xi32>
    %sign3A_5 = arith.constant 0 : i32
    %sign3A_6 = vector.broadcast %sign3A_5 : i32 to vector<4x256xi32>
    %sign3A_7 = arith.cmpi slt, %iota3A_0, %sign3A_6 : vector<4x256xi32>
    %sign3A_8 = arith.extui %sign3A_7 : vector<4x256xi1> to vector<4x256xi32>
    %sign3A_9 = arith.subi %sign3A_4, %sign3A_8 : vector<4x256xi32>
    %sign3A_10 = arith.constant 0 : i32
    %sign3A_11 = arith.cmpi sgt, %jit3A, %sign3A_10 : i32
    %sign3A_12 = arith.extui %sign3A_11 : i1 to i32
    %sign3A_13 = arith.constant 0 : i32
    %sign3A_14 = arith.cmpi slt, %jit3A, %sign3A_13 : i32
    %sign3A_15 = arith.extui %sign3A_14 : i1 to i32
    %sign3A_16 = arith.subi %sign3A_12, %sign3A_15 : i32
    %ne3A = vector.broadcast %sign3A_16 : i32 to vector<4x256xi32>
    %ne3A_17 = arith.cmpi ne, %sign3A_9, %ne3A : vector<4x256xi32>
    %rem3A = vector.broadcast %jit3A : i32 to vector<4x256xi32>
    %rem3A_18 = arith.remsi %iota3A_0, %rem3A : vector<4x256xi32>
    %ne3A_19 = arith.constant 0 : i32
    %ne3A_20 = vector.broadcast %ne3A_19 : i32 to vector<4x256xi32>
    %ne3A_21 = arith.cmpi ne, %rem3A_18, %ne3A_20 : vector<4x256xi32>
    %and3A = arith.andi %ne3A_17, %ne3A_21 : vector<4x256xi1>
    %sub3A = arith.constant 1 : i32
    %sub3A_22 = vector.broadcast %sub3A : i32 to vector<4x256xi32>
    %sub3A_23 = arith.subi %div3A_1, %sub3A_22 : vector<4x256xi32>
    %select_n3A = arith.select %and3A, %sub3A_23, %div3A_1 : vector<4x256xi1>, vector<4x256xi32>
    %eq3A = arith.cmpi eq, %iota3A, %select_n3A : vector<4x256xi32>
    %convert_element_type3A = arith.extui %eq3A : vector<4x256xi1> to vector<4x256xi32>
    %convert_element_type3A_24 = arith.sitofp %convert_element_type3A : vector<4x256xi32> to vector<4x256xf32>
    %get3A = arith.constant 0 : index
    %get3A_25 = arith.constant 0 : index
    %get3A_26 = vector.load %arg3[%get3A, %get3A_25] : memref<4096x4xf32, #tpu.memory_space<vmem>>, vector<4096x4xf32>
    %dot_general3A = arith.constant dense<0.000000e+00> : vector<4096x256xf32>
    %dot_general3A_27 = tpu.matmul %get3A_26, %convert_element_type3A_24, %dot_general3A {dimension_numbers = #tpu.dot_dimension_numbers<[1], [0], [0], [1], [0, 0, 1, 1], [], []>, transpose_lhs_hint = false} : vector<4096x4xf32>, vector<4x256xf32>, vector<4096x256xf32> -> vector<4096x256xf32>
    %gt3A = arith.constant 5.000000e-01 : f32
    %gt3A_28 = vector.broadcast %gt3A : f32 to vector<4096x256xf32>
    %gt3A_29 = arith.cmpf ogt, %dot_general3A_27, %gt3A_28 : vector<4096x256xf32>
    %get3A_30 = arith.constant 0 : index
    %get3A_31 = arith.constant 0 : index
    %get3A_32 = vector.load %arg1[%get3A_30, %get3A_31] : memref<4096x128xi32, #tpu.memory_space<vmem>>, vector<4096x128xi32>
    %slice3A = vector.extract_strided_slice %gt3A_29 {offsets = [0, 0], sizes = [4096, 64], strides = [1, 1]} : vector<4096x256xi1> to vector<4096x64xi1>
    %slice3A_33 = vector.extract_strided_slice %gt3A_29 {offsets = [0, 64], sizes = [4096, 64], strides = [1, 1]} : vector<4096x256xi1> to vector<4096x64xi1>
    %slice3A_34 = vector.extract_strided_slice %get3A_32 {offsets = [0, 0], sizes = [4096, 64], strides = [1, 1]} : vector<4096x128xi32> to vector<4096x64xi32>
    %slice3A_35 = vector.extract_strided_slice %get3A_32 {offsets = [0, 64], sizes = [4096, 64], strides = [1, 1]} : vector<4096x128xi32> to vector<4096x64xi32>
    %shift_left3A = arith.constant 16 : i32
    %shift_left3A_36 = vector.broadcast %shift_left3A : i32 to vector<4096x64xi32>
    %shift_left3A_37 = arith.shli %slice3A_34, %shift_left3A_36 : vector<4096x64xi32>
    %bitcast_convert_type3A = tpu.bitcast %shift_left3A_37 : vector<4096x64xi32> -> vector<4096x64xf32>
    %and3A_38 = arith.constant -65536 : i32
    %and3A_39 = vector.broadcast %and3A_38 : i32 to vector<4096x64xi32>
    %and3A_40 = arith.andi %slice3A_34, %and3A_39 : vector<4096x64xi32>
    %bitcast_convert_type3A_41 = tpu.bitcast %and3A_40 : vector<4096x64xi32> -> vector<4096x64xf32>
    %shift_left3A_42 = arith.constant 16 : i32
    %shift_left3A_43 = vector.broadcast %shift_left3A_42 : i32 to vector<4096x64xi32>
    %shift_left3A_44 = arith.shli %slice3A_35, %shift_left3A_43 : vector<4096x64xi32>
    %bitcast_convert_type3A_45 = tpu.bitcast %shift_left3A_44 : vector<4096x64xi32> -> vector<4096x64xf32>
    %and3A_46 = arith.constant -65536 : i32
    %and3A_47 = vector.broadcast %and3A_46 : i32 to vector<4096x64xi32>
    %and3A_48 = arith.andi %slice3A_35, %and3A_47 : vector<4096x64xi32>
    %bitcast_convert_type3A_49 = tpu.bitcast %and3A_48 : vector<4096x64xi32> -> vector<4096x64xf32>
    %select_n3A_50 = arith.select %slice3A, %bitcast_convert_type3A_41, %bitcast_convert_type3A : vector<4096x64xi1>, vector<4096x64xf32>
    %select_n3A_51 = arith.select %slice3A, %bitcast_convert_type3A_49, %bitcast_convert_type3A_45 : vector<4096x64xi1>, vector<4096x64xf32>
    %select_n3A_52 = arith.select %slice3A_33, %select_n3A_51, %select_n3A_50 : vector<4096x64xi1>, vector<4096x64xf32>
    %convert_element_type3A_53 = arith.truncf %select_n3A_52 : vector<4096x64xf32> to vector<4096x64xbf16>
    %get3A_54 = arith.constant 0 : index
    %get3A_55 = arith.constant 0 : index
    %get3A_56 = vector.load %arg2[%get3A_54, %get3A_55] : memref<4096x128xi32, #tpu.memory_space<vmem>>, vector<4096x128xi32>
    %slice3A_57 = vector.extract_strided_slice %gt3A_29 {offsets = [0, 128], sizes = [4096, 64], strides = [1, 1]} : vector<4096x256xi1> to vector<4096x64xi1>
    %slice3A_58 = vector.extract_strided_slice %gt3A_29 {offsets = [0, 192], sizes = [4096, 64], strides = [1, 1]} : vector<4096x256xi1> to vector<4096x64xi1>
    %slice3A_59 = vector.extract_strided_slice %get3A_56 {offsets = [0, 0], sizes = [4096, 64], strides = [1, 1]} : vector<4096x128xi32> to vector<4096x64xi32>
    %slice3A_60 = vector.extract_strided_slice %get3A_56 {offsets = [0, 64], sizes = [4096, 64], strides = [1, 1]} : vector<4096x128xi32> to vector<4096x64xi32>
    %shift_left3A_61 = arith.constant 16 : i32
    %shift_left3A_62 = vector.broadcast %shift_left3A_61 : i32 to vector<4096x64xi32>
    %shift_left3A_63 = arith.shli %slice3A_59, %shift_left3A_62 : vector<4096x64xi32>
    %bitcast_convert_type3A_64 = tpu.bitcast %shift_left3A_63 : vector<4096x64xi32> -> vector<4096x64xf32>
    %and3A_65 = arith.constant -65536 : i32
    %and3A_66 = vector.broadcast %and3A_65 : i32 to vector<4096x64xi32>
    %and3A_67 = arith.andi %slice3A_59, %and3A_66 : vector<4096x64xi32>
    %bitcast_convert_type3A_68 = tpu.bitcast %and3A_67 : vector<4096x64xi32> -> vector<4096x64xf32>
    %shift_left3A_69 = arith.constant 16 : i32
    %shift_left3A_70 = vector.broadcast %shift_left3A_69 : i32 to vector<4096x64xi32>
    %shift_left3A_71 = arith.shli %slice3A_60, %shift_left3A_70 : vector<4096x64xi32>
    %bitcast_convert_type3A_72 = tpu.bitcast %shift_left3A_71 : vector<4096x64xi32> -> vector<4096x64xf32>
    %and3A_73 = arith.constant -65536 : i32
    %and3A_74 = vector.broadcast %and3A_73 : i32 to vector<4096x64xi32>
    %and3A_75 = arith.andi %slice3A_60, %and3A_74 : vector<4096x64xi32>
    %bitcast_convert_type3A_76 = tpu.bitcast %and3A_75 : vector<4096x64xi32> -> vector<4096x64xf32>
    %select_n3A_77 = arith.select %slice3A_57, %bitcast_convert_type3A_68, %bitcast_convert_type3A_64 : vector<4096x64xi1>, vector<4096x64xf32>
    %select_n3A_78 = arith.select %slice3A_57, %bitcast_convert_type3A_76, %bitcast_convert_type3A_72 : vector<4096x64xi1>, vector<4096x64xf32>
    %select_n3A_79 = arith.select %slice3A_58, %select_n3A_78, %select_n3A_77 : vector<4096x64xi1>, vector<4096x64xf32>
    %convert_element_type3A_80 = arith.truncf %select_n3A_79 : vector<4096x64xf32> to vector<4096x64xbf16>
    %get3A_81 = arith.constant 0 : index
    %get3A_82 = arith.constant 0 : index
    %get3A_83 = vector.load %arg4[%get3A_81, %get3A_82] : memref<128x64xf32, #tpu.memory_space<vmem>>, vector<128x64xf32>
    %convert_element_type3A_84 = arith.truncf %get3A_83 : vector<128x64xf32> to vector<128x64xbf16>
    %dot_general3A_85 = arith.constant dense<0.000000e+00> : vector<4096x128xf32>
    %dot_general3A_86 = tpu.matmul %convert_element_type3A_53, %convert_element_type3A_84, %dot_general3A_85 {dimension_numbers = #tpu.dot_dimension_numbers<[1], [1], [0], [0], [0, 0, 1, 0], [], []>, transpose_lhs_hint = false} : vector<4096x64xbf16>, vector<128x64xbf16>, vector<4096x128xf32> -> vector<4096x128xf32>
    %get3A_87 = arith.constant 0 : index
    %get3A_88 = arith.constant 0 : index
    %get3A_89 = vector.load %arg5[%get3A_87, %get3A_88] : memref<128x64xf32, #tpu.memory_space<vmem>>, vector<128x64xf32>
    %convert_element_type3A_90 = arith.truncf %get3A_89 : vector<128x64xf32> to vector<128x64xbf16>
    %dot_general3A_91 = arith.constant dense<0.000000e+00> : vector<4096x128xf32>
    %dot_general3A_92 = tpu.matmul %convert_element_type3A_80, %convert_element_type3A_90, %dot_general3A_91 {dimension_numbers = #tpu.dot_dimension_numbers<[1], [1], [0], [0], [0, 0, 1, 0], [], []>, transpose_lhs_hint = false} : vector<4096x64xbf16>, vector<128x64xbf16>, vector<4096x128xf32> -> vector<4096x128xf32>
    %add3A = arith.addf %dot_general3A_86, %dot_general3A_92 : vector<4096x128xf32>
    %get3A_93 = arith.constant 0 : index
    %get3A_94 = arith.constant 0 : index
    %get3A_95 = vector.load %arg6[%get3A_93, %get3A_94] : memref<1x128xf32, #tpu.memory_space<vmem>>, vector<1x128xf32>
    %add3A_96 = vector.broadcast %get3A_95 : vector<1x128xf32> to vector<4096x128xf32>
    %add3A_97 = arith.addf %add3A, %add3A_96 : vector<4096x128xf32>
    %max3A = arith.constant 0.000000e+00 : f32
    %max3A_98 = vector.broadcast %max3A : f32 to vector<4096x128xf32>
    %max3A_99 = arith.maximumf %add3A_97, %max3A_98 : vector<4096x128xf32>
    %convert_element_type3A_100 = arith.truncf %max3A_99 : vector<4096x128xf32> to vector<4096x128xbf16>
    %get3A_101 = arith.constant 0 : index
    %get3A_102 = arith.constant 0 : index
    %get3A_103 = vector.load %arg7[%get3A_101, %get3A_102] : memref<64x128xf32, #tpu.memory_space<vmem>>, vector<64x128xf32>
    %convert_element_type3A_104 = arith.truncf %get3A_103 : vector<64x128xf32> to vector<64x128xbf16>
    %dot_general3A_105 = arith.constant dense<0.000000e+00> : vector<4096x64xf32>
    %dot_general3A_106 = tpu.matmul %convert_element_type3A_100, %convert_element_type3A_104, %dot_general3A_105 {dimension_numbers = #tpu.dot_dimension_numbers<[1], [1], [0], [0], [0, 0, 1, 0], [], []>, transpose_lhs_hint = false} : vector<4096x128xbf16>, vector<64x128xbf16>, vector<4096x64xf32> -> vector<4096x64xf32>
    %get3A_107 = arith.constant 0 : index
    %get3A_108 = arith.constant 0 : index
    %get3A_109 = vector.load %arg8[%get3A_107, %get3A_108] : memref<1x64xf32, #tpu.memory_space<vmem>>, vector<1x64xf32>
    %add3A_110 = vector.broadcast %get3A_109 : vector<1x64xf32> to vector<4096x64xf32>
    %add3A_111 = arith.addf %dot_general3A_106, %add3A_110 : vector<4096x64xf32>
    %max3A_112 = arith.constant 0.000000e+00 : f32
    %max3A_113 = vector.broadcast %max3A_112 : f32 to vector<4096x64xf32>
    %max3A_114 = arith.maximumf %add3A_111, %max3A_113 : vector<4096x64xf32>
    %get3A_115 = arith.constant 0 : index
    %get3A_116 = arith.constant 0 : index
    %get3A_117 = vector.load %arg9[%get3A_115, %get3A_116] : memref<1x64xf32, #tpu.memory_space<vmem>>, vector<1x64xf32>
    %mul3A = vector.broadcast %get3A_117 : vector<1x64xf32> to vector<4096x64xf32>
    %mul3A_118 = arith.mulf %max3A_114, %mul3A : vector<4096x64xf32>
    %reduce_sum3A = arith.constant dense<0.000000e+00> : vector<4096xf32>
    %reduce_sum3A_119 = vector.multi_reduction <add>, %mul3A_118, %reduce_sum3A [1] : vector<4096x64xf32> to vector<4096xf32>
    %broadcast_in_dim3A = vector.shape_cast %reduce_sum3A_119 : vector<4096xf32> to vector<4096x1xf32>
    %get3A_120 = arith.constant 0 : index
    %get3A_121 = arith.constant 0 : index
    %get3A_122 = vector.load %arg10[%get3A_120, %get3A_121] : memref<1x1xf32, #tpu.memory_space<vmem>>, vector<1x1xf32>
    %get3A_123 = vector.extract %get3A_122[0, 0] : f32 from vector<1x1xf32>
    %add3A_124 = vector.broadcast %get3A_123 : f32 to vector<4096x1xf32>
    %add3A_125 = arith.addf %broadcast_in_dim3A, %add3A_124 : vector<4096x1xf32>
    %swap3A = arith.constant 0 : index
    %swap3A_126 = arith.constant 0 : index
    %swap3A_127 = vector.load %arg11[%swap3A, %swap3A_126] : memref<4096x1xf32, #tpu.memory_space<vmem>>, vector<4096x1xf32>
    tpu.vector_store %arg11[%swap3A, %swap3A_126], %add3A_125 {strides = array<i32>} : memref<4096x1xf32, #tpu.memory_space<vmem>>, vector<4096x1xf32>,
    return
  }
  func.func @transform_0(%arg0: i32) -> (i32, i32) {
    %c0_i32 = arith.constant 0 : i32
    %c0_i32_0 = arith.constant 0 : i32
    return %arg0, %c0_i32 : i32, i32
  }
  func.func @transform_1(%arg0: i32) -> (i32, i32) {
    %c0_i32 = arith.constant 0 : i32
    %c0_i32_0 = arith.constant 0 : i32
    return %arg0, %c0_i32 : i32, i32
  }
  func.func @transform_2(%arg0: i32) -> (i32, i32) {
    %c0_i32 = arith.constant 0 : i32
    %c0_i32_0 = arith.constant 0 : i32
    return %arg0, %c0_i32 : i32, i32
  }
  func.func @transform_3(%arg0: i32) -> (i32, i32) {
    %c0_i32 = arith.constant 0 : i32
    %c0_i32_0 = arith.constant 0 : i32
    %c0_i32_1 = arith.constant 0 : i32
    return %c0_i32, %c0_i32_0 : i32, i32
  }
  func.func @transform_4(%arg0: i32) -> (i32, i32) {
    %c0_i32 = arith.constant 0 : i32
    %c0_i32_0 = arith.constant 0 : i32
    %c0_i32_1 = arith.constant 0 : i32
    return %c0_i32, %c0_i32_0 : i32, i32
  }
  func.func @transform_5(%arg0: i32) -> (i32, i32) {
    %c0_i32 = arith.constant 0 : i32
    %c0_i32_0 = arith.constant 0 : i32
    %c0_i32_1 = arith.constant 0 : i32
    return %c0_i32, %c0_i32_0 : i32, i32
  }
  func.func @transform_6(%arg0: i32) -> (i32, i32) {
    %c0_i32 = arith.constant 0 : i32
    %c0_i32_0 = arith.constant 0 : i32
    %c0_i32_1 = arith.constant 0 : i32
    return %c0_i32, %c0_i32_0 : i32, i32
  }
  func.func @transform_7(%arg0: i32) -> (i32, i32) {
    %c0_i32 = arith.constant 0 : i32
    %c0_i32_0 = arith.constant 0 : i32
    %c0_i32_1 = arith.constant 0 : i32
    return %c0_i32, %c0_i32_0 : i32, i32
  }
  func.func @transform_8(%arg0: i32) -> (i32, i32) {
    %c0_i32 = arith.constant 0 : i32
    %c0_i32_0 = arith.constant 0 : i32
    %c0_i32_1 = arith.constant 0 : i32
    return %c0_i32, %c0_i32_0 : i32, i32
  }
  func.func @transform_9(%arg0: i32) -> (i32, i32) {
    %c0_i32 = arith.constant 0 : i32
    %c0_i32_0 = arith.constant 0 : i32
    %c0_i32_1 = arith.constant 0 : i32
    return %c0_i32, %c0_i32_0 : i32, i32
  }
  func.func @transform_10(%arg0: i32) -> (i32, i32) {
    %c0_i32 = arith.constant 0 : i32
    %c0_i32_0 = arith.constant 0 : i32
    return %arg0, %c0_i32 : i32, i32
  }
}

</mosaic_0001>

<sc_bundles>
// kernel: kernel.10.cloned.1.call-start
scs
__scs_entry_jumppad:
0x0: {  	(pc) =	sbr.rel $0x88, $3  }
0x1: {  	(tag) =	ssettag $0x0;
	lr =	simm.s32 $0x1  }
0x2: {  	[smem:$0x3F97] =	sst lr;
	_ =	strace $0xD0000000  }
0x3: {  	_ = 	snop  }
0x4: {  	_ = 	snop  }
0x5: {  	_ = 	snop  }
0x6: {  	_ = 	snop  }
0x7: {  	_ = 	snop  }
__scs_overlays_trampoline_lowered:
0x8: {  	[smem:$0x3FA6] =	sst s0  }
0x9: {  	[smem:$0x3FA7] =	sst s1  }
0xa: {  	[smem:$0x3FA8] =	sst s2  }
0xb: {  	[smem:$0x3FA9] =	sst s3  }
0xc: {  	[smem:$0x3FAA] =	sst s4  }
0xd: {  	[smem:$0x3FAB] =	sst s5  }
0xe: {  	[smem:$0x3FAC] =	sst s6  }
0xf: {  	[smem:$0x3FAD] =	sst s7  }
0x10: {  	[smem:$0x3FAE] =	sst s8  }
0x11: {  	[smem:$0x3FAF] =	sst s9;
	s0 =	simm.s32 @!p0 $0x0  }
0x12: {  	s1 =	sld [smem:$0x3F95];
	s0 =	simm.s32 @p0 $0x1  }
0x13: {  	[smem:$0x3FB0] =	sst s0;
	s0 =	simm.s32 @!p1 $0x0  }
0x14: {  	s2 =	sld [smem:$0x3F94];
	s0 =	simm.s32 @p1 $0x1  }
0x15: {  	[smem:$0x3FB1] =	sst s0;
	s0 =	simm.s32 @!p2 $0x0  }
0x16: {  	s3 =	sld [smem:$0x3FDB];
	s0 =	simm.s32 @p2 $0x1  }
0x17: {  	s4 =	simm.s32 $0x1BF5;
	[smem:$0x3FB3] =	sst s0  }
0x18: {  	s0 =	sld [smem:$0x3F96];
	_ =	swait.ge [sflag:s4], $0x0  }
0x19: {  	s7 =	sld [smem:$0x3F97]  }
0x1a: {  	s8 =	sadd.s32 $0xFFFFE003, lr  }
0x1b: {  	s9 =	sadd.s32 $0xFFFFFEF7, lr;
	s5 =	simm.s32 $0xFFFFFFFF;
	p2 =	slt.u32 s8, $0xFFFFF086  }
0x1c: {  	p1 =	slt.u32 s9, $0xF7A;
	s5 =	simm.s32 @!p2 $0x0  }
0x1d: {  	s5 =	simm.s32 @p1 $0x1;
	p0 =	seq.s32 s7, s2  }
0x1e: {  	s7 =	smul.u32 @!p0 $0xF7A, s2;
	p2 =	seq.s32 @!p0 s5, $0x0  }
0x1f: {  	s9 =	smul.u32 $0xF7A, s1;
	s8 =	simm.s32 @!p0 $0x1BF5;
	p2 =	por !p2, p0  }
0x20: {  	[sflag:s8] =	ssyncset.s32 @!p0 $0xFFFFF086;
	s6 =	sadd.s32 @!p0 s3, s7;
	s7 =	simm.s32 @!p0 $0x108  }
0x21: {  	s3 =	sadd.s32 s3, s9;
	s6 =	sadd.s32 @!p0 $0x88, s6;
	s7 =	simm.s32 @p2 $0x1082  }
0x22: {  	[simem:s7], [sflag:s8] =	dma.local @!p0 [hbm:s6], $0xF7A  }
0x23: {  	s9 =	sor.u32 $0xD0000000, s2;
	s6 =	simm.s32 $0x108;
	_ =	swait.ge @!p0 [sflag:s8], $0x0  }
0x24: {  	s3 =	sadd.s32 $0x88, s3;
	s6 =	simm.s32 @!p1 $0x1082;
	[sflag:s4] =	ssyncset.s32 $0xFFFFF086  }
0x25: {  	[simem:s6], [sflag:s4] =	dma.local [hbm:s3], $0xF7A  }
0x26: {  	[smem:$0x3F97] =	sst s1;
	(tag) =	ssettag s2;
	_ =	strace s9  }
0x27: {  	s1 =	sld [smem:$0x3FA7]  }
0x28: {  	s2 =	sld [smem:$0x3FA8]  }
0x29: {  	s4 =	sld [smem:$0x3FAA]  }
0x2a: {  	p0 =	seq.s32 s5, $0x0;
	s5 =	sld [smem:$0x3FAB]  }
0x2b: {  	s6 =	sld [smem:$0x3FAC]  }
0x2c: {  	s7 =	sld [smem:$0x3FAD]  }
0x2d: {  	s3 =	simm.s32 $0x108;
	s8 =	sld [smem:$0x3FAE]  }
0x2e: {  	s3 =	simm.s32 @!p0 $0x1082;
	s9 =	sld [smem:$0x3FAF]  }
0x2f: {  	lr =	sadd.s32 s0, s3;
	s0 =	sld [smem:$0x3FA6]  }
0x30: {  	s3 =	sld [smem:$0x3FA9]  }
0x31: {  	[smem:$0x3FB2] =	sst s10  }
0x32: {  	s10 =	sld [smem:$0x3FB0];
	_ =	sdelay $0x3  }
0x33: {  	p0 =	seq.s32 s10, $0x1;
	s10 =	sld [smem:$0x3FB2];
	_ =	sdelay $0x3  }
0x34: {  	[smem:$0x3FB2] =	sst s10  }
0x35: {  	s10 =	sld [smem:$0x3FB1];
	_ =	sdelay $0x3  }
0x36: {  	p1 =	seq.s32 s10, $0x1;
	s10 =	sld [smem:$0x3FB2];
	_ =	sdelay $0x3  }
0x37: {  	[smem:$0x3FB2] =	sst s10  }
0x38: {  	s10 =	sld [smem:$0x3FB3]  }
0x39: {  	_ = 	snop;
	(pc) =	sbr.ind lr, $3  }
0x3a: {  	_ = 	snop  }
0x3b: {  	_ = 	snop  }
0x3c: {  	p2 =	seq.s32 s10, $0x1;
	s10 =	sld [smem:$0x3FB2]  }
0x3d: {  	_ =	shalt  }
0x3e: {  	_ =	shalt  }
0x3f: {  	_ =	shalt  }
0x40: {  	_ =	shalt  }
0x41: {  	_ =	shalt  }
0x42: {  	_ =	shalt  }
0x43: {  	_ =	shalt  }
0x44: {  	_ =	shalt  }
0x45: {  	_ =	shalt  }
0x46: {  	_ =	shalt  }
0x47: {  	_ =	shalt  }
0x48: {  	_ =	shalt  }
0x49: {  	_ =	shalt  }
0x4a: {  	_ =	shalt  }
0x4b: {  	_ =	shalt  }
0x4c: {  	_ =	shalt  }
0x4d: {  	_ =	shalt  }
0x4e: {  	_ =	shalt  }
0x4f: {  	_ =	shalt  }
0x50: {  	_ =	shalt  }
0x51: {  	_ =	shalt  }
0x52: {  	_ =	shalt  }
0x53: {  	_ =	shalt  }
0x54: {  	_ =	shalt  }
0x55: {  	_ =	shalt  }
0x56: {  	_ =	shalt  }
0x57: {  	_ =	shalt  }
0x58: {  	_ =	shalt  }
0x59: {  	_ =	shalt  }
0x5a: {  	_ =	shalt  }
0x5b: {  	_ =	shalt  }
0x5c: {  	_ =	shalt  }
0x5d: {  	_ =	shalt  }
0x5e: {  	_ =	shalt  }
0x5f: {  	_ =	shalt  }
0x60: {  	_ =	shalt  }
0x61: {  	_ =	shalt  }
0x62: {  	_ =	shalt  }
0x63: {  	_ =	shalt  }
0x64: {  	_ =	shalt  }
0x65: {  	_ =	shalt  }
0x66: {  	_ =	shalt  }
0x67: {  	_ =	shalt  }
0x68: {  	_ =	shalt  }
0x69: {  	_ =	shalt  }
0x6a: {  	_ =	shalt  }
0x6b: {  	_ =	shalt  }
0x6c: {  	_ =	shalt  }
0x6d: {  	_ =	shalt  }
0x6e: {  	_ =	shalt  }
0x6f: {  	_ =	shalt  }
0x70: {  	_ =	shalt  }
0x71: {  	_ =	shalt  }
0x72: {  	_ =	shalt  }
0x73: {  	_ =	shalt  }
0x74: {  	_ =	shalt  }
0x75: {  	_ =	shalt  }
0x76: {  	_ =	shalt  }
0x77: {  	_ =	shalt  }
0x78: {  	_ =	shalt  }
0x79: {  	_ =	shalt  }
0x7a: {  	_ =	shalt  }
0x7b: {  	_ =	shalt  }
0x7c: {  	_ =	shalt  }
0x7d: {  	_ =	shalt  }
0x7e: {  	_ =	shalt  }
0x7f: {  	_ =	shalt  }
0x80: {  	_ =	shalt  }
0x81: {  	_ =	shalt  }
0x82: {  	_ =	shalt  }
0x83: {  	_ =	shalt  }
0x84: {  	_ =	shalt  }
0x85: {  	_ =	shalt  }
0x86: {  	_ =	shalt  }
0x87: {  	_ =	shalt  }
.Lfunc_end0:
.L_simem_size_0:
called_computation.1_lowered:
.L_overlay_start_0:
0x88: {  	s2 =	sld [smem:$0x3FD9]  }
0x89: {  	s3 =	sld [smem:$0x3FFE];
	_ =	sdelay $0x1  }
0x8a: {  	s1 =	srdreg.scid  }
0x8b: {  	s0 =	sand.u32 $0x1, s1  }
0x8c: {  	s16 =	sshll.u32 s0, $0xA;
	s2 =	sadd.s32 s3, s2  }
0x8d: {  	s2 =	sadd.s32 s2, s16  }
0x8e: {  	[smem:$0x3FBE] =	sst s2  }
0x8f: {  	_ = 	snop  }
0x90: {  	(tm) =	ssettm $0x1  }
0x91: {  	s17 =	sld [smem:$0x3FFB];
	_ =	sdelay $0x3  }
0x92: {  	_ =	strace s17  }
0x93: {  	s2 =	sld [smem:$0x3FFC];
	_ =	sdelay $0x3  }
0x94: {  	_ =	strace s2  }
0x95: {  	s2 =	sld [smem:$0x3FFD];
	_ =	sdelay $0x3  }
0x96: {  	_ =	strace s2  }
0x97: {  	_ =	strace $0x8FFFFFFF  }
0x98: {  	s18 =	sld [smem:$0x3FDB];
	_ =	sdelay $0x1  }
0x99: {  	s19 =	simm.s32 $_scs_section_size  }
0x9a: {  	s4 =	simm.s32 $_size__tile_overlayer_lowered;
	s5 =	simm.s32 $_tile_overlayer_lowered  }
0x9b: {  	s22 =	simm.s32 $0x1BFF;
	s21 =	sshll.u32 s5, $0x1;
	s2 =	sadd.s32 s19, s18  }
0x9c: {  	s6 =	simm.s32 $0x0;
	s20 =	sshll.u32 s4, $0x1;
	s4 =	sadd.s32 s21, s2  }
0x9d: {  	[timem:s6], [sflag:s22] =	dma.local [hbm:s4], s20  }
0x9e: {  	_ =	swait.ge [sflag:s22], s20  }
0x9f: {  	s3 =	ssub.s32 $0x0, s20;
	[sflag:s22] =	ssyncset.done $0x0  }
0xa0: {  	[sflag:s22] =	ssyncadd.s32 s3;
	_ =	sdelay $0x1  }
0xa1: {  	s23 =	simm.s32 $0x1B8B  }
0xa2: {  	_ =	swait.ge [sflag:s23], $0x1  }
0xa3: {  	[sflag:s23] =	ssyncset.done $0x0  }
0xa4: {  	s25 =	simm.s32 $0x1B8E;
	s24 =	sld [smem:$0x3FFE];
	[sflag:s23] =	ssyncadd.s32 $0xFFFFFFFF  }
0xa5: {  	s26 =	simm.s32 $execute0_lowered;
	[smem:$0x3FD2] =	sst s25  }
0xa6: {  	s4 =	sshll.u32 s26, $0x1;
	_ =	strace $0x80000046;
	[dreg:$0x1] =	wrdreg $0xFFFFFFFF  }
0xa7: {  	s28 =	simm.s32 $_size_execute0_lowered;
	s2 =	sadd.s32 s2, s4;
	[dreg:$0x0] =	wrdreg $0x0  }
0xa8: {  	s4 =	sshll.u32 s28, $0x1;
	[dreg:$0x2] =	wrdreg s2  }
0xa9: {  	[dreg:$0x3] =	wrdreg s4  }
0xaa: {  	[dreg:$0x4] =	wrdreg $0xC0  }
0xab: {  	_ =	task [dreg:s6], $0x5FFFF  }
0xac: {  	[dreg:$0x1] =	wrdreg $0xFFFFFFFF  }
0xad: {  	[dreg:$0x0] =	wrdreg $0x60  }
0xae: {  	[dreg:$0x2] =	wrdreg s24  }
0xaf: {  	[dreg:$0x3] =	wrdreg $0xA  }
0xb0: {  	_ =	task.clear_ibuf [dreg:s6], $0x4FFFF;
	_ =	strace $0x90000046  }
0xb1: {  	s29 =	simm.s32 $0xA;
	_ =	strace $0x80000048  }
0xb2: {  	_ =	swait.ge [sflag:s29], $0x1  }
0xb3: {  	[sflag:s29] =	ssyncadd.s32 $0xFFFFFFFF  }
0xb4: {  	_ =	strace $0x90000048  }
0xb5: {  	_ =	sfence  }
0xb6: {  	s30 =	sld [smem:$0x0];
	_ =	sdelay $0x2  }
0xb7: {  	s31 =	sshll.u32 s1, $0xD;
	s1 =	sshrl.u32 s1, $0x2  }
0xb8: {  	s3 =	sand.u32 $0x4000, s31;
	s1 =	sadd.s32 s1, s30  }
0xb9: {  	s0 =	sor.u32 s3, s0;
	s1 =	sshll.u32 s1, $0x11  }
0xba: {  	s0 =	sor.u32 s1, s0  }
0xbb: {  	s0 =	sadd.s32 $0x8F2B, s0  }
0xbc: {  	[sflag:s0] =	ssyncadd.remote.s32 $0x1  }
0xbd: {  	_ =	sfence.sel $0xFFFF  }
0xbe: {  	[dreg:$0x0] =	wrdreg $0xFFFFFFFF;
	(pc) =	sbr.abs _section_cstart, $3  }
0xbf: {  	[dreg:$0x1] =	wrdreg $0xFFFFFFFF  }
0xc0: {  	_ =	task.clear_ibuf [dreg:s6], $0x2FFFF;
	_ =	strace $0x9FFFFFFF  }
0xc1: {  	(tm) =	ssettm $0x7FFFFFFF  }
tec
execute0_lowered:
.L_overlay_start_1:
0x0: {  	(tag) =	ssettag $0x1  }
0x1: {  	s1 =	srdreg.scid  }
0x2: {  	s0 =	stileid.u32;
	s19 =	sand.u32 $0x1, s1  }
0x3: {  	s17 =	rddreg [dreg:$0x0];
	s3 =	sshll.u32 s0, $0xA;
	s4 =	sshll.u32 s19, $0x9  }
0x4: {  	s2 =	simm.s32 $0x0;
	s1 =	rddreg [dreg:$0x1];
	s18 =	sor.u32 s4, s3  }
0x5: {  	[smem:$0x7FF] =	sst s2;
	s9 =	sadd.s32 $0x1C00, s17;
	s3 =	sshrl.u32 s18, $0x3  }
0x6: {  	_ =	strace $0x80000047;
	s4 =	sadd.s32 s9, s3;
	s3 =	simm.s32 $0x2  }
0x7: {  	[tilespmem:s2], [sflag:$0x2] =	stream.linear.gather [hbm4b:s4+s2], $0x80, $0x38;
	[tilespmem:$0x10200] =	vst v63  }
0x8: {  	s20 =	sor.u32 $0x80, s18;
	_ =	swait.ge [sflag:s3], $0x80  }
0x9: {  	s5 =	sshrl.u32 s20, $0x3;
	[sflag:s3] =	ssyncset.done $0x0  }
0xa: {  	s6 =	simm.s32 $0x80;
	s5 =	sadd.s32 s9, s5;
	[sflag:s3] =	ssyncadd.s32 $0xFFFFFF80  }
0xb: {  	[tilespmem:s6], [sflag:$0x2] =	stream.linear.gather [hbm4b:s5+s2], $0x80, $0x38;
	[tilespmem:$0x10200] =	vst v63  }
0xc: {  	s21 =	sor.u32 $0x100, s18;
	_ =	swait.ge [sflag:s3], $0x80  }
0xd: {  	s7 =	sshrl.u32 s21, $0x3;
	[sflag:s3] =	ssyncset.done $0x0  }
0xe: {  	s8 =	simm.s32 $0x100;
	s7 =	sadd.s32 s9, s7;
	[sflag:s3] =	ssyncadd.s32 $0xFFFFFF80  }
0xf: {  	[tilespmem:s8], [sflag:$0x2] =	stream.linear.gather [hbm4b:s7+s2], $0x80, $0x38;
	[tilespmem:$0x10200] =	vst v63  }
0x10: {  	s22 =	sor.u32 $0x180, s18;
	_ =	swait.ge [sflag:s3], $0x80  }
0x11: {  	s10 =	sshrl.u32 s22, $0x3;
	[sflag:s3] =	ssyncset.done $0x0  }
0x12: {  	s9 =	sadd.s32 s9, s10;
	s10 =	simm.s32 $0x180;
	[sflag:s3] =	ssyncadd.s32 $0xFFFFFF80  }
0x13: {  	[tilespmem:s10], [sflag:$0x2] =	stream.linear.gather [hbm4b:s9+s2], $0x80, $0x38;
	[tilespmem:$0x10200] =	vst v63  }
0x14: {  	_ =	swait.ge [sflag:s3], $0x80  }
0x15: {  	[sflag:s3] =	ssyncset.done $0x0  }
0x16: {  	s12 =	simm.s32 $0x200;
	s11 =	sadd.s32 $0x2400, s17;
	[sflag:s3] =	ssyncadd.s32 $0xFFFFFF80  }
0x17: {  	[tilespmem:s12], [sflag:$0x1] =	stream.indirect.gather [hbm4b:s11+s6], $0x80, s2, s6, $0xb8;
	[tilespmem:$0x10200] =	vst v63  }
0x18: {  	s13 =	simm.s32 $0x4200  }
0x19: {  	[tilespmem:s13], [sflag:$0x1] =	stream.indirect.gather [hbm4b:s11+s6], $0x80, s6, s6, $0xb8;
	[tilespmem:$0x10200] =	vst v63  }
0x1a: {  	s14 =	simm.s32 $0x8200  }
0x1b: {  	[tilespmem:s14], [sflag:$0x1] =	stream.indirect.gather [hbm4b:s11+s6], $0x80, s8, s6, $0xb8;
	[tilespmem:$0x10200] =	vst v63  }
0x1c: {  	s15 =	simm.s32 $0xC200;
	s16 =	simm.s32 $0x1  }
0x1d: {  	[tilespmem:s15], [sflag:$0x1] =	stream.indirect.gather [hbm4b:s11+s6], $0x80, s10, s6, $0xb8;
	[tilespmem:$0x10200] =	vst v63  }
0x1e: {  	_ =	swait.ge [sflag:s16], $0x4000  }
0x1f: {  	[sflag:s16] =	ssyncset.done $0x0  }
0x20: {  	[sflag:s16] =	ssyncadd.s32 $0xFFFFC000  }
0x21: {  	_ =	swait.ge [sflag:s16], $0x4000  }
0x22: {  	[sflag:s16] =	ssyncset.done $0x0  }
0x23: {  	[sflag:s16] =	ssyncadd.s32 $0xFFFFC000  }
0x24: {  	_ =	swait.ge [sflag:s16], $0x4000  }
0x25: {  	[sflag:s16] =	ssyncset.done $0x0  }
0x26: {  	[sflag:s16] =	ssyncadd.s32 $0xFFFFC000  }
0x27: {  	_ =	swait.ge [sflag:s16], $0x4000  }
0x28: {  	s23 =	sadd.s32 $0x3F2400, s17;
	s25 =	sshll.u32 s18, $0x4;
	[sflag:s16] =	ssyncset.done $0x0  }
0x29: {  	s17 =	sadd.s32 s23, s25;
	[sflag:s16] =	ssyncadd.s32 $0xFFFFC000  }
0x2a: {  	[hbm4b:s17+s2] =	stream.linear.scatter [tilespmem:s12], [sflag:$0x2], $0x4000, $0x38;
	[tilespmem:$0x10200] =	vst v63  }
0x2b: {  	_ =	swait.ge [sflag:s3], $0x4000  }
0x2c: {  	s26 =	sshll.u32 s20, $0x4;
	[sflag:s3] =	ssyncset.done $0x0  }
0x2d: {  	s29 =	ssub.s32 $0x2, s19;
	s18 =	sadd.s32 s23, s26;
	[sflag:s3] =	ssyncadd.s32 $0xFFFFC000  }
0x2e: {  	[hbm4b:s18+s2] =	stream.linear.scatter [tilespmem:s13], [sflag:$0x2], $0x4000, $0x38;
	[tilespmem:$0x10200] =	vst v63  }
0x2f: {  	s30 =	sshrl.u32 s29, $0x1;
	_ =	swait.ge [sflag:s3], $0x4000  }
0x30: {  	s28 =	sshll.u32 s21, $0x4;
	s21 =	ssub.s32 s29, s30;
	[sflag:s3] =	ssyncset.done $0x0  }
0x31: {  	s19 =	sadd.s32 s23, s28;
	s21 =	smax.u32 s21, $0x1;
	[sflag:s3] =	ssyncadd.s32 $0xFFFFC000  }
0x32: {  	[hbm4b:s19+s2] =	stream.linear.scatter [tilespmem:s14], [sflag:$0x2], $0x4000, $0x38;
	[tilespmem:$0x10200] =	vst v63  }
0x33: {  	p0 =	sne.s32 s21, $0x1;
	_ =	swait.ge [sflag:s3], $0x4000  }
.Ltmp0:
0x34: {  	s31 =	sshll.u32 s22, $0x4;
	[sflag:s3] =	ssyncset.done $0x0;
	(pc) =	sbr.rel @!p0 .LBB2_2-.Ltmp0, $4  }
0x35: {  	s20 =	sadd.s32 s23, s31;
	[sflag:s3] =	ssyncadd.s32 $0xFFFFC000  }
0x36: {  	[hbm4b:s20+s2] =	stream.linear.scatter [tilespmem:s15], [sflag:$0x2], $0x4000, $0x38;
	[tilespmem:$0x10200] =	vst v63  }
0x37: {  	_ =	swait.ge [sflag:s3], $0x4000  }
0x38: {  	s21 =	sadd.s32 $0xFFFFFFFF, s21;
	[sflag:s3] =	ssyncset.done $0x0  }
.LBB2_1:
0x39: {  	p0 =	sne.s32 s21, $0x1;
	s21 =	sadd.s32 $0xFFFFFFFF, s21;
	[sflag:s3] =	ssyncadd.s32 $0xFFFFC000  }
0x3a: {  	[tilespmem:s2], [sflag:$0x2] =	stream.linear.gather [hbm4b:s4+s2], $0x80, $0x38;
	[tilespmem:$0x10200] =	vst v63  }
0x3b: {  	_ =	swait.ge [sflag:s3], $0x80  }
0x3c: {  	[sflag:s3] =	ssyncset.done $0x0  }
0x3d: {  	[sflag:s3] =	ssyncadd.s32 $0xFFFFFF80  }
0x3e: {  	[tilespmem:s6], [sflag:$0x2] =	stream.linear.gather [hbm4b:s5+s2], $0x80, $0x38;
	[tilespmem:$0x10200] =	vst v63  }
0x3f: {  	_ =	swait.ge [sflag:s3], $0x80  }
0x40: {  	[sflag:s3] =	ssyncset.done $0x0  }
0x41: {  	[sflag:s3] =	ssyncadd.s32 $0xFFFFFF80  }
0x42: {  	[tilespmem:s8], [sflag:$0x2] =	stream.linear.gather [hbm4b:s7+s2], $0x80, $0x38;
	[tilespmem:$0x10200] =	vst v63  }
0x43: {  	_ =	swait.ge [sflag:s3], $0x80  }
0x44: {  	[sflag:s3] =	ssyncset.done $0x0  }
0x45: {  	[sflag:s3] =	ssyncadd.s32 $0xFFFFFF80  }
0x46: {  	[tilespmem:s10], [sflag:$0x2] =	stream.linear.gather [hbm4b:s9+s2], $0x80, $0x38;
	[tilespmem:$0x10200] =	vst v63  }
0x47: {  	_ =	swait.ge [sflag:s3], $0x80  }
0x48: {  	[sflag:s3] =	ssyncset.done $0x0  }
0x49: {  	[sflag:s3] =	ssyncadd.s32 $0xFFFFFF80  }
0x4a: {  	[tilespmem:s12], [sflag:$0x1] =	stream.indirect.gather [hbm4b:s11+s6], $0x80, s2, s6, $0xb8;
	[tilespmem:$0x10200] =	vst v63  }
0x4b: {  	_ = 	snop  }
0x4c: {  	[tilespmem:s13], [sflag:$0x1] =	stream.indirect.gather [hbm4b:s11+s6], $0x80, s6, s6, $0xb8;
	[tilespmem:$0x10200] =	vst v63  }
0x4d: {  	_ = 	snop  }
0x4e: {  	[tilespmem:s14], [sflag:$0x1] =	stream.indirect.gather [hbm4b:s11+s6], $0x80, s8, s6, $0xb8;
	[tilespmem:$0x10200] =	vst v63  }
0x4f: {  	_ = 	snop  }
0x50: {  	[tilespmem:s15], [sflag:$0x1] =	stream.indirect.gather [hbm4b:s11+s6], $0x80, s10, s6, $0xb8;
	[tilespmem:$0x10200] =	vst v63  }
0x51: {  	_ =	swait.ge [sflag:s16], $0x4000  }
0x52: {  	[sflag:s16] =	ssyncset.done $0x0  }
0x53: {  	[sflag:s16] =	ssyncadd.s32 $0xFFFFC000  }
0x54: {  	_ =	swait.ge [sflag:s16], $0x4000  }
0x55: {  	[sflag:s16] =	ssyncset.done $0x0  }
0x56: {  	[sflag:s16] =	ssyncadd.s32 $0xFFFFC000  }
0x57: {  	_ =	swait.ge [sflag:s16], $0x4000  }
0x58: {  	[sflag:s16] =	ssyncset.done $0x0  }
0x59: {  	[sflag:s16] =	ssyncadd.s32 $0xFFFFC000  }
0x5a: {  	_ =	swait.ge [sflag:s16], $0x4000  }
0x5b: {  	[sflag:s16] =	ssyncset.done $0x0  }
0x5c: {  	[sflag:s16] =	ssyncadd.s32 $0xFFFFC000  }
0x5d: {  	[hbm4b:s17+s2] =	stream.linear.scatter [tilespmem:s12], [sflag:$0x2], $0x4000, $0x38;
	[tilespmem:$0x10200] =	vst v63  }
0x5e: {  	_ =	swait.ge [sflag:s3], $0x4000  }
0x5f: {  	[sflag:s3] =	ssyncset.done $0x0  }
0x60: {  	[sflag:s3] =	ssyncadd.s32 $0xFFFFC000  }
0x61: {  	[hbm4b:s18+s2] =	stream.linear.scatter [tilespmem:s13], [sflag:$0x2], $0x4000, $0x38;
	[tilespmem:$0x10200] =	vst v63  }
0x62: {  	_ =	swait.ge [sflag:s3], $0x4000  }
0x63: {  	[sflag:s3] =	ssyncset.done $0x0  }
0x64: {  	[sflag:s3] =	ssyncadd.s32 $0xFFFFC000  }
0x65: {  	[hbm4b:s19+s2] =	stream.linear.scatter [tilespmem:s14], [sflag:$0x2], $0x4000, $0x38;
	[tilespmem:$0x10200] =	vst v63  }
0x66: {  	_ =	swait.ge [sflag:s3], $0x4000  }
.Ltmp1:
0x67: {  	[sflag:s3] =	ssyncset.done $0x0;
	(pc) =	sbr.rel @p0 .LBB2_1-.Ltmp1, $4  }
0x68: {  	[sflag:s3] =	ssyncadd.s32 $0xFFFFC000  }
0x69: {  	[hbm4b:s20+s2] =	stream.linear.scatter [tilespmem:s15], [sflag:$0x2], $0x4000, $0x38;
	[tilespmem:$0x10200] =	vst v63  }
0x6a: {  	_ =	swait.ge [sflag:s3], $0x4000  }
0x6b: {  	[sflag:s3] =	ssyncset.done $0x0  }
.LBB2_2:
0x6c: {  	[sflag:s3] =	ssyncadd.s32 $0xFFFFC000  }
0x6d: {  	_ =	sfence.sel $0x180000  }
0x6e: {  	[bflag:$0x0] =	sbarrier.arrive $0xFFFF  }
0x6f: {  	p0 =	sne.s32 s0, $0x0;
	_ =	strace $0x90000047  }
0x70: {  	s0 =	sadd.s32 @!p0 $0x100000, s1;
	[bflag:$0x2] =	sbarrier.arrive $0xFFFF  }
0x71: {  	[sflag:s0] =	ssyncadd.tile.s32 @!p0 $0x1;
	_ =	shalt  }
.Lfunc_end2:
_tile_overlayer_lowered:
.L_overlay_start_2:
0x72: {  	(tag) =	ssettag $0x2  }
0x73: {  	s0 =	rddreg [dreg:$0x0];
	s2 =	stileid.u32  }
0x74: {  	s1 =	rddreg [dreg:$0x1];
	p0 =	sne.s32 s2, $0x0  }
0x75: {  	s3 =	rddreg [dreg:$0x2];
	[bflag:$0x3] =	sbarrier.arrive $0xFFFF;
	s2 =	simm.s32 @!p0 $0x1C02  }
0x76: {  	[timem:s3], [sflag:s2] =	dma.local @!p0 [hbm:s0], s1  }
0x77: {  	s0 =	simm.s32 @!p0 $0x2  }
0x78: {  	_ =	swait.ge @!p0 [sflag:s0], s1  }
0x79: {  	s1 =	ssub.s32 @!p0 $0x0, s1;
	[sflag:s0] =	ssyncset.done @!p0 $0x0  }
0x7a: {  	[sflag:s0] =	ssyncadd.s32 @!p0 s1  }
0x7b: {  	[bflag:$0x3] =	sbarrier.arrive $0xFFFF  }
0x7c: {  	_ =	shalt  }

// kernel: kernel.7.cloned.1.call-start
scs
__scs_entry_jumppad:
0x0: {  	(pc) =	sbr.rel $0x88, $3  }
0x1: {  	(tag) =	ssettag $0x0;
	lr =	simm.s32 $0x1  }
0x2: {  	[smem:$0x3F97] =	sst lr;
	_ =	strace $0xD0000000  }
0x3: {  	_ = 	snop  }
0x4: {  	_ = 	snop  }
0x5: {  	_ = 	snop  }
0x6: {  	_ = 	snop  }
0x7: {  	_ = 	snop  }
__scs_overlays_trampoline_lowered:
0x8: {  	[smem:$0x3FA6] =	sst s0  }
0x9: {  	[smem:$0x3FA7] =	sst s1  }
0xa: {  	[smem:$0x3FA8] =	sst s2  }
0xb: {  	[smem:$0x3FA9] =	sst s3  }
0xc: {  	[smem:$0x3FAA] =	sst s4  }
0xd: {  	[smem:$0x3FAB] =	sst s5  }
0xe: {  	[smem:$0x3FAC] =	sst s6  }
0xf: {  	[smem:$0x3FAD] =	sst s7  }
0x10: {  	[smem:$0x3FAE] =	sst s8  }
0x11: {  	[smem:$0x3FAF] =	sst s9;
	s0 =	simm.s32 @!p0 $0x0  }
0x12: {  	s1 =	sld [smem:$0x3F95];
	s0 =	simm.s32 @p0 $0x1  }
0x13: {  	[smem:$0x3FB0] =	sst s0;
	s0 =	simm.s32 @!p1 $0x0  }
0x14: {  	s2 =	sld [smem:$0x3F94];
	s0 =	simm.s32 @p1 $0x1  }
0x15: {  	[smem:$0x3FB1] =	sst s0;
	s0 =	simm.s32 @!p2 $0x0  }
0x16: {  	s3 =	sld [smem:$0x3FDB];
	s0 =	simm.s32 @p2 $0x1  }
0x17: {  	s4 =	simm.s32 $0x1BF5;
	[smem:$0x3FB3] =	sst s0  }
0x18: {  	s0 =	sld [smem:$0x3F96];
	_ =	swait.ge [sflag:s4], $0x0  }
0x19: {  	s7 =	sld [smem:$0x3F97]  }
0x1a: {  	s8 =	sadd.s32 $0xFFFFE003, lr  }
0x1b: {  	s9 =	sadd.s32 $0xFFFFFEF7, lr;
	s5 =	simm.s32 $0xFFFFFFFF;
	p2 =	slt.u32 s8, $0xFFFFF086  }
0x1c: {  	p1 =	slt.u32 s9, $0xF7A;
	s5 =	simm.s32 @!p2 $0x0  }
0x1d: {  	s5 =	simm.s32 @p1 $0x1;
	p0 =	seq.s32 s7, s2  }
0x1e: {  	s7 =	smul.u32 @!p0 $0xF7A, s2;
	p2 =	seq.s32 @!p0 s5, $0x0  }
0x1f: {  	s9 =	smul.u32 $0xF7A, s1;
	s8 =	simm.s32 @!p0 $0x1BF5;
	p2 =	por !p2, p0  }
0x20: {  	[sflag:s8] =	ssyncset.s32 @!p0 $0xFFFFF086;
	s6 =	sadd.s32 @!p0 s3, s7;
	s7 =	simm.s32 @!p0 $0x108  }
0x21: {  	s3 =	sadd.s32 s3, s9;
	s6 =	sadd.s32 @!p0 $0x88, s6;
	s7 =	simm.s32 @p2 $0x1082  }
0x22: {  	[simem:s7], [sflag:s8] =	dma.local @!p0 [hbm:s6], $0xF7A  }
0x23: {  	s9 =	sor.u32 $0xD0000000, s2;
	s6 =	simm.s32 $0x108;
	_ =	swait.ge @!p0 [sflag:s8], $0x0  }
0x24: {  	s3 =	sadd.s32 $0x88, s3;
	s6 =	simm.s32 @!p1 $0x1082;
	[sflag:s4] =	ssyncset.s32 $0xFFFFF086  }
0x25: {  	[simem:s6], [sflag:s4] =	dma.local [hbm:s3], $0xF7A  }
0x26: {  	[smem:$0x3F97] =	sst s1;
	(tag) =	ssettag s2;
	_ =	strace s9  }
0x27: {  	s1 =	sld [smem:$0x3FA7]  }
0x28: {  	s2 =	sld [smem:$0x3FA8]  }
0x29: {  	s4 =	sld [smem:$0x3FAA]  }
0x2a: {  	p0 =	seq.s32 s5, $0x0;
	s5 =	sld [smem:$0x3FAB]  }
0x2b: {  	s6 =	sld [smem:$0x3FAC]  }
0x2c: {  	s7 =	sld [smem:$0x3FAD]  }
0x2d: {  	s3 =	simm.s32 $0x108;
	s8 =	sld [smem:$0x3FAE]  }
0x2e: {  	s3 =	simm.s32 @!p0 $0x1082;
	s9 =	sld [smem:$0x3FAF]  }
0x2f: {  	lr =	sadd.s32 s0, s3;
	s0 =	sld [smem:$0x3FA6]  }
0x30: {  	s3 =	sld [smem:$0x3FA9]  }
0x31: {  	[smem:$0x3FB2] =	sst s10  }
0x32: {  	s10 =	sld [smem:$0x3FB0];
	_ =	sdelay $0x3  }
0x33: {  	p0 =	seq.s32 s10, $0x1;
	s10 =	sld [smem:$0x3FB2];
	_ =	sdelay $0x3  }
0x34: {  	[smem:$0x3FB2] =	sst s10  }
0x35: {  	s10 =	sld [smem:$0x3FB1];
	_ =	sdelay $0x3  }
0x36: {  	p1 =	seq.s32 s10, $0x1;
	s10 =	sld [smem:$0x3FB2];
	_ =	sdelay $0x3  }
0x37: {  	[smem:$0x3FB2] =	sst s10  }
0x38: {  	s10 =	sld [smem:$0x3FB3]  }
0x39: {  	_ = 	snop;
	(pc) =	sbr.ind lr, $3  }
0x3a: {  	_ = 	snop  }
0x3b: {  	_ = 	snop  }
0x3c: {  	p2 =	seq.s32 s10, $0x1;
	s10 =	sld [smem:$0x3FB2]  }
0x3d: {  	_ =	shalt  }
0x3e: {  	_ =	shalt  }
0x3f: {  	_ =	shalt  }
0x40: {  	_ =	shalt  }
0x41: {  	_ =	shalt  }
0x42: {  	_ =	shalt  }
0x43: {  	_ =	shalt  }
0x44: {  	_ =	shalt  }
0x45: {  	_ =	shalt  }
0x46: {  	_ =	shalt  }
0x47: {  	_ =	shalt  }
0x48: {  	_ =	shalt  }
0x49: {  	_ =	shalt  }
0x4a: {  	_ =	shalt  }
0x4b: {  	_ =	shalt  }
0x4c: {  	_ =	shalt  }
0x4d: {  	_ =	shalt  }
0x4e: {  	_ =	shalt  }
0x4f: {  	_ =	shalt  }
0x50: {  	_ =	shalt  }
0x51: {  	_ =	shalt  }
0x52: {  	_ =	shalt  }
0x53: {  	_ =	shalt  }
0x54: {  	_ =	shalt  }
0x55: {  	_ =	shalt  }
0x56: {  	_ =	shalt  }
0x57: {  	_ =	shalt  }
0x58: {  	_ =	shalt  }
0x59: {  	_ =	shalt  }
0x5a: {  	_ =	shalt  }
0x5b: {  	_ =	shalt  }
0x5c: {  	_ =	shalt  }
0x5d: {  	_ =	shalt  }
0x5e: {  	_ =	shalt  }
0x5f: {  	_ =	shalt  }
0x60: {  	_ =	shalt  }
0x61: {  	_ =	shalt  }
0x62: {  	_ =	shalt  }
0x63: {  	_ =	shalt  }
0x64: {  	_ =	shalt  }
0x65: {  	_ =	shalt  }
0x66: {  	_ =	shalt  }
0x67: {  	_ =	shalt  }
0x68: {  	_ =	shalt  }
0x69: {  	_ =	shalt  }
0x6a: {  	_ =	shalt  }
0x6b: {  	_ =	shalt  }
0x6c: {  	_ =	shalt  }
0x6d: {  	_ =	shalt  }
0x6e: {  	_ =	shalt  }
0x6f: {  	_ =	shalt  }
0x70: {  	_ =	shalt  }
0x71: {  	_ =	shalt  }
0x72: {  	_ =	shalt  }
0x73: {  	_ =	shalt  }
0x74: {  	_ =	shalt  }
0x75: {  	_ =	shalt  }
0x76: {  	_ =	shalt  }
0x77: {  	_ =	shalt  }
0x78: {  	_ =	shalt  }
0x79: {  	_ =	shalt  }
0x7a: {  	_ =	shalt  }
0x7b: {  	_ =	shalt  }
0x7c: {  	_ =	shalt  }
0x7d: {  	_ =	shalt  }
0x7e: {  	_ =	shalt  }
0x7f: {  	_ =	shalt  }
0x80: {  	_ =	shalt  }
0x81: {  	_ =	shalt  }
0x82: {  	_ =	shalt  }
0x83: {  	_ =	shalt  }
0x84: {  	_ =	shalt  }
0x85: {  	_ =	shalt  }
0x86: {  	_ =	shalt  }
0x87: {  	_ =	shalt  }
.Lfunc_end0:
.L_simem_size_0:
called_computation_lowered:
.L_overlay_start_0:
0x88: {  	s2 =	sld [smem:$0x3FD9]  }
0x89: {  	s3 =	sld [smem:$0x3FFE];
	_ =	sdelay $0x1  }
0x8a: {  	s1 =	srdreg.scid  }
0x8b: {  	s0 =	sand.u32 $0x1, s1  }
0x8c: {  	s17 =	sshll.u32 s0, $0xA;
	s2 =	sadd.s32 s3, s2  }
0x8d: {  	s2 =	sadd.s32 s2, s17  }
0x8e: {  	[smem:$0x3FBE] =	sst s2  }
0x8f: {  	_ = 	snop  }
0x90: {  	(tm) =	ssettm $0x1  }
0x91: {  	s18 =	sld [smem:$0x3FFB];
	_ =	sdelay $0x3  }
0x92: {  	_ =	strace s18  }
0x93: {  	s2 =	sld [smem:$0x3FFC];
	_ =	sdelay $0x3  }
0x94: {  	_ =	strace s2  }
0x95: {  	s2 =	sld [smem:$0x3FFD];
	_ =	sdelay $0x3  }
0x96: {  	_ =	strace s2  }
0x97: {  	_ =	strace $0x8FFFFFFF  }
0x98: {  	s19 =	sld [smem:$0x3FDB];
	_ =	sdelay $0x1  }
0x99: {  	s20 =	simm.s32 $_scs_section_size  }
0x9a: {  	s4 =	simm.s32 $_size__tile_overlayer_lowered;
	s5 =	simm.s32 $_tile_overlayer_lowered  }
0x9b: {  	s6 =	simm.s32 $0x1BFF;
	s21 =	sshll.u32 s5, $0x1;
	s3 =	sadd.s32 s20, s19  }
0x9c: {  	s22 =	simm.s32 $0x0;
	s4 =	sshll.u32 s4, $0x1;
	s5 =	sadd.s32 s21, s3  }
0x9d: {  	[timem:s22], [sflag:s6] =	dma.local [hbm:s5], s4  }
0x9e: {  	_ =	swait.ge [sflag:s6], s4  }
0x9f: {  	s4 =	ssub.s32 $0x0, s4;
	[sflag:s6] =	ssyncset.done $0x0  }
0xa0: {  	[sflag:s6] =	ssyncadd.s32 s4;
	_ =	sdelay $0x1  }
0xa1: {  	s23 =	simm.s32 $0x1B8B  }
0xa2: {  	_ =	swait.ge [sflag:s23], $0x1  }
0xa3: {  	[sflag:s23] =	ssyncset.done $0x0  }
0xa4: {  	[sflag:s23] =	ssyncadd.s32 $0xFFFFFFFF  }
0xa5: {  	s4 =	sld [smem:$0x0]  }
0xa6: {  	s5 =	sand.u32 $0xFFFFFFFE, s1  }
0xa7: {  	p0 =	sne.s32 s1, s5  }
0xa8: {  	s5 =	sshll.u32 @p0 s5, $0xE  }
0xa9: {  	s5 =	sadd.s32 @p0 $0x11B8D, s5;
	s6 =	sshll.u32 @p0 s4, $0x11  }
0xaa: {  	s5 =	sor.u32 @p0 s6, s5  }
0xab: {  	[sflag:s5] =	ssyncadd.remote.s32 @p0 $0x1;
	_ =	sdelay $0x1  }
0xac: {  	s5 =	simm.s32 @p0 $0x1B8D  }
0xad: {  	_ =	swait.eq @p0 [sflag:s5], $0x1  }
0xae: {  	[sflag:s5] =	ssyncadd.s32 @p0 $0xFFFFFFFF  }
0xaf: {  	s6 =	sshll.u32 @!p0 s1, $0xE  }
0xb0: {  	s6 =	sor.u32 @!p0 $0x4000, s6;
	s5 =	simm.s32 @!p0 $0x1B8D  }
0xb1: {  	s4 =	sshll.u32 @!p0 s4, $0x11;
	s6 =	sadd.s32 @!p0 $0x11B8D, s6;
	_ =	swait.eq @!p0 [sflag:s5], $0x1  }
0xb2: {  	s4 =	sor.u32 @!p0 s4, s6;
	[sflag:s5] =	ssyncadd.s32 @!p0 $0xFFFFFFFF  }
0xb3: {  	s25 =	simm.s32 $0x1B8E;
	s24 =	sld [smem:$0x3FFE];
	[sflag:s4] =	ssyncadd.remote.s32 @!p0 $0x1  }
0xb4: {  	s26 =	simm.s32 $execute0_lowered;
	[smem:$0x3FD2] =	sst s25  }
0xb5: {  	s5 =	sshll.u32 s26, $0x1;
	_ =	strace $0x80000049;
	[dreg:$0x1] =	wrdreg $0xFFFFFFFF  }
0xb6: {  	s28 =	simm.s32 $_size_execute0_lowered;
	s3 =	sadd.s32 s3, s5;
	[dreg:$0x0] =	wrdreg $0x0  }
0xb7: {  	s5 =	sshll.u32 s28, $0x1;
	[dreg:$0x2] =	wrdreg s3  }
0xb8: {  	[dreg:$0x3] =	wrdreg s5  }
0xb9: {  	[dreg:$0x4] =	wrdreg $0xC0  }
0xba: {  	_ =	task [dreg:s22], $0x5FFFF  }
0xbb: {  	[dreg:$0x1] =	wrdreg $0xFFFFFFFF  }
0xbc: {  	[dreg:$0x0] =	wrdreg $0x60  }
0xbd: {  	[dreg:$0x2] =	wrdreg s24  }
0xbe: {  	[dreg:$0x3] =	wrdreg $0x9  }
0xbf: {  	_ =	task.clear_ibuf [dreg:s22], $0x4FFFF;
	_ =	strace $0x90000049  }
0xc0: {  	s29 =	simm.s32 $0x9;
	_ =	strace $0x8000004B  }
0xc1: {  	_ =	swait.ge [sflag:s29], $0x1  }
0xc2: {  	[sflag:s29] =	ssyncadd.s32 $0xFFFFFFFF  }
0xc3: {  	_ =	strace $0x9000004B  }
0xc4: {  	_ =	sfence  }
0xc5: {  	s30 =	sld [smem:$0x0];
	_ =	sdelay $0x2  }
0xc6: {  	s31 =	sshll.u32 s1, $0xD;
	s1 =	sshrl.u32 s1, $0x2  }
0xc7: {  	s4 =	sand.u32 $0x4000, s31;
	s1 =	sadd.s32 s1, s30  }
0xc8: {  	s0 =	sor.u32 s4, s0;
	s1 =	sshll.u32 s1, $0x11  }
0xc9: {  	s0 =	sor.u32 s1, s0  }
0xca: {  	s0 =	sadd.s32 $0x8F2B, s0  }
0xcb: {  	[sflag:s0] =	ssyncadd.remote.s32 $0x1  }
0xcc: {  	_ =	sfence.sel $0xFFFF  }
0xcd: {  	[dreg:$0x0] =	wrdreg $0xFFFFFFFF;
	(pc) =	sbr.abs _section_cstart, $3  }
0xce: {  	[dreg:$0x1] =	wrdreg $0xFFFFFFFF  }
0xcf: {  	_ =	task.clear_ibuf [dreg:s22], $0x2FFFF;
	_ =	strace $0x9FFFFFFF  }
0xd0: {  	(tm) =	ssettm $0x7FFFFFFF  }
0xd1: {  	_ =	shalt  }
tec
execute0_lowered:
.L_overlay_start_1:
0x0: {  	(tag) =	ssettag $0x1  }
0x1: {  	s1 =	srdreg.scid  }
0x2: {  	s0 =	stileid.u32;
	s19 =	sand.u32 $0x1, s1  }
0x3: {  	s17 =	rddreg [dreg:$0x0];
	s3 =	sshll.u32 s0, $0xA;
	s4 =	sshll.u32 s19, $0x9  }
0x4: {  	s2 =	simm.s32 $0x0;
	s1 =	rddreg [dreg:$0x1];
	s18 =	sor.u32 s4, s3  }
0x5: {  	[smem:$0x7FF] =	sst s2;
	s9 =	sadd.s32 $0x4A2400, s17;
	s3 =	sshrl.u32 s18, $0x3  }
0x6: {  	_ =	strace $0x8000004A;
	s4 =	sadd.s32 s9, s3;
	s3 =	simm.s32 $0x2  }
0x7: {  	[tilespmem:s2], [sflag:$0x2] =	stream.linear.gather [hbm4b:s4+s2], $0x80, $0x38;
	[tilespmem:$0x10200] =	vst v63  }
0x8: {  	s20 =	sor.u32 $0x80, s18;
	_ =	swait.ge [sflag:s3], $0x80  }
0x9: {  	s5 =	sshrl.u32 s20, $0x3;
	[sflag:s3] =	ssyncset.done $0x0  }
0xa: {  	s6 =	simm.s32 $0x80;
	s5 =	sadd.s32 s9, s5;
	[sflag:s3] =	ssyncadd.s32 $0xFFFFFF80  }
0xb: {  	[tilespmem:s6], [sflag:$0x2] =	stream.linear.gather [hbm4b:s5+s2], $0x80, $0x38;
	[tilespmem:$0x10200] =	vst v63  }
0xc: {  	s21 =	sor.u32 $0x100, s18;
	_ =	swait.ge [sflag:s3], $0x80  }
0xd: {  	s7 =	sshrl.u32 s21, $0x3;
	[sflag:s3] =	ssyncset.done $0x0  }
0xe: {  	s8 =	simm.s32 $0x100;
	s7 =	sadd.s32 s9, s7;
	[sflag:s3] =	ssyncadd.s32 $0xFFFFFF80  }
0xf: {  	[tilespmem:s8], [sflag:$0x2] =	stream.linear.gather [hbm4b:s7+s2], $0x80, $0x38;
	[tilespmem:$0x10200] =	vst v63  }
0x10: {  	s22 =	sor.u32 $0x180, s18;
	_ =	swait.ge [sflag:s3], $0x80  }
0x11: {  	s10 =	sshrl.u32 s22, $0x3;
	[sflag:s3] =	ssyncset.done $0x0  }
0x12: {  	s9 =	sadd.s32 s9, s10;
	s10 =	simm.s32 $0x180;
	[sflag:s3] =	ssyncadd.s32 $0xFFFFFF80  }
0x13: {  	[tilespmem:s10], [sflag:$0x2] =	stream.linear.gather [hbm4b:s9+s2], $0x80, $0x38;
	[tilespmem:$0x10200] =	vst v63  }
0x14: {  	_ =	swait.ge [sflag:s3], $0x80  }
0x15: {  	[sflag:s3] =	ssyncset.done $0x0  }
0x16: {  	s12 =	simm.s32 $0x200;
	s11 =	sadd.s32 $0x432400, s17;
	[sflag:s3] =	ssyncadd.s32 $0xFFFFFF80  }
0x17: {  	[tilespmem:s12], [sflag:$0x1] =	stream.indirect.gather [hbm4b:s11+s6], $0x80, s2, s6, $0xb8;
	[tilespmem:$0x10200] =	vst v63  }
0x18: {  	s13 =	simm.s32 $0x4200  }
0x19: {  	[tilespmem:s13], [sflag:$0x1] =	stream.indirect.gather [hbm4b:s11+s6], $0x80, s6, s6, $0xb8;
	[tilespmem:$0x10200] =	vst v63  }
0x1a: {  	s14 =	simm.s32 $0x8200  }
0x1b: {  	[tilespmem:s14], [sflag:$0x1] =	stream.indirect.gather [hbm4b:s11+s6], $0x80, s8, s6, $0xb8;
	[tilespmem:$0x10200] =	vst v63  }
0x1c: {  	s15 =	simm.s32 $0xC200;
	s16 =	simm.s32 $0x1  }
0x1d: {  	[tilespmem:s15], [sflag:$0x1] =	stream.indirect.gather [hbm4b:s11+s6], $0x80, s10, s6, $0xb8;
	[tilespmem:$0x10200] =	vst v63  }
0x1e: {  	_ =	swait.ge [sflag:s16], $0x4000  }
0x1f: {  	[sflag:s16] =	ssyncset.done $0x0  }
0x20: {  	[sflag:s16] =	ssyncadd.s32 $0xFFFFC000  }
0x21: {  	_ =	swait.ge [sflag:s16], $0x4000  }
0x22: {  	[sflag:s16] =	ssyncset.done $0x0  }
0x23: {  	[sflag:s16] =	ssyncadd.s32 $0xFFFFC000  }
0x24: {  	_ =	swait.ge [sflag:s16], $0x4000  }
0x25: {  	[sflag:s16] =	ssyncset.done $0x0  }
0x26: {  	[sflag:s16] =	ssyncadd.s32 $0xFFFFC000  }
0x27: {  	_ =	swait.ge [sflag:s16], $0x4000  }
0x28: {  	s23 =	sadd.s32 $0x4A2C00, s17;
	s25 =	sshll.u32 s18, $0x4;
	[sflag:s16] =	ssyncset.done $0x0  }
0x29: {  	s17 =	sadd.s32 s23, s25;
	[sflag:s16] =	ssyncadd.s32 $0xFFFFC000  }
0x2a: {  	[hbm4b:s17+s2] =	stream.linear.scatter [tilespmem:s12], [sflag:$0x2], $0x4000, $0x38;
	[tilespmem:$0x10200] =	vst v63  }
0x2b: {  	_ =	swait.ge [sflag:s3], $0x4000  }
0x2c: {  	s26 =	sshll.u32 s20, $0x4;
	[sflag:s3] =	ssyncset.done $0x0  }
0x2d: {  	s29 =	ssub.s32 $0x2, s19;
	s18 =	sadd.s32 s23, s26;
	[sflag:s3] =	ssyncadd.s32 $0xFFFFC000  }
0x2e: {  	[hbm4b:s18+s2] =	stream.linear.scatter [tilespmem:s13], [sflag:$0x2], $0x4000, $0x38;
	[tilespmem:$0x10200] =	vst v63  }
0x2f: {  	s30 =	sshrl.u32 s29, $0x1;
	_ =	swait.ge [sflag:s3], $0x4000  }
0x30: {  	s28 =	sshll.u32 s21, $0x4;
	s21 =	ssub.s32 s29, s30;
	[sflag:s3] =	ssyncset.done $0x0  }
0x31: {  	s19 =	sadd.s32 s23, s28;
	s21 =	smax.u32 s21, $0x1;
	[sflag:s3] =	ssyncadd.s32 $0xFFFFC000  }
0x32: {  	[hbm4b:s19+s2] =	stream.linear.scatter [tilespmem:s14], [sflag:$0x2], $0x4000, $0x38;
	[tilespmem:$0x10200] =	vst v63  }
0x33: {  	p0 =	sne.s32 s21, $0x1;
	_ =	swait.ge [sflag:s3], $0x4000  }
.Ltmp0:
0x34: {  	s31 =	sshll.u32 s22, $0x4;
	[sflag:s3] =	ssyncset.done $0x0;
	(pc) =	sbr.rel @!p0 .LBB2_2-.Ltmp0, $4  }
0x35: {  	s20 =	sadd.s32 s23, s31;
	[sflag:s3] =	ssyncadd.s32 $0xFFFFC000  }
0x36: {  	[hbm4b:s20+s2] =	stream.linear.scatter [tilespmem:s15], [sflag:$0x2], $0x4000, $0x38;
	[tilespmem:$0x10200] =	vst v63  }
0x37: {  	_ =	swait.ge [sflag:s3], $0x4000  }
0x38: {  	s21 =	sadd.s32 $0xFFFFFFFF, s21;
	[sflag:s3] =	ssyncset.done $0x0  }
.LBB2_1:
0x39: {  	p0 =	sne.s32 s21, $0x1;
	s21 =	sadd.s32 $0xFFFFFFFF, s21;
	[sflag:s3] =	ssyncadd.s32 $0xFFFFC000  }
0x3a: {  	[tilespmem:s2], [sflag:$0x2] =	stream.linear.gather [hbm4b:s4+s2], $0x80, $0x38;
	[tilespmem:$0x10200] =	vst v63  }
0x3b: {  	_ =	swait.ge [sflag:s3], $0x80  }
0x3c: {  	[sflag:s3] =	ssyncset.done $0x0  }
0x3d: {  	[sflag:s3] =	ssyncadd.s32 $0xFFFFFF80  }
0x3e: {  	[tilespmem:s6], [sflag:$0x2] =	stream.linear.gather [hbm4b:s5+s2], $0x80, $0x38;
	[tilespmem:$0x10200] =	vst v63  }
0x3f: {  	_ =	swait.ge [sflag:s3], $0x80  }
0x40: {  	[sflag:s3] =	ssyncset.done $0x0  }
0x41: {  	[sflag:s3] =	ssyncadd.s32 $0xFFFFFF80  }
0x42: {  	[tilespmem:s8], [sflag:$0x2] =	stream.linear.gather [hbm4b:s7+s2], $0x80, $0x38;
	[tilespmem:$0x10200] =	vst v63  }
0x43: {  	_ =	swait.ge [sflag:s3], $0x80  }
0x44: {  	[sflag:s3] =	ssyncset.done $0x0  }
0x45: {  	[sflag:s3] =	ssyncadd.s32 $0xFFFFFF80  }
0x46: {  	[tilespmem:s10], [sflag:$0x2] =	stream.linear.gather [hbm4b:s9+s2], $0x80, $0x38;
	[tilespmem:$0x10200] =	vst v63  }
0x47: {  	_ =	swait.ge [sflag:s3], $0x80  }
0x48: {  	[sflag:s3] =	ssyncset.done $0x0  }
0x49: {  	[sflag:s3] =	ssyncadd.s32 $0xFFFFFF80  }
0x4a: {  	[tilespmem:s12], [sflag:$0x1] =	stream.indirect.gather [hbm4b:s11+s6], $0x80, s2, s6, $0xb8;
	[tilespmem:$0x10200] =	vst v63  }
0x4b: {  	_ = 	snop  }
0x4c: {  	[tilespmem:s13], [sflag:$0x1] =	stream.indirect.gather [hbm4b:s11+s6], $0x80, s6, s6, $0xb8;
	[tilespmem:$0x10200] =	vst v63  }
0x4d: {  	_ = 	snop  }
0x4e: {  	[tilespmem:s14], [sflag:$0x1] =	stream.indirect.gather [hbm4b:s11+s6], $0x80, s8, s6, $0xb8;
	[tilespmem:$0x10200] =	vst v63  }
0x4f: {  	_ = 	snop  }
0x50: {  	[tilespmem:s15], [sflag:$0x1] =	stream.indirect.gather [hbm4b:s11+s6], $0x80, s10, s6, $0xb8;
	[tilespmem:$0x10200] =	vst v63  }
0x51: {  	_ =	swait.ge [sflag:s16], $0x4000  }
0x52: {  	[sflag:s16] =	ssyncset.done $0x0  }
0x53: {  	[sflag:s16] =	ssyncadd.s32 $0xFFFFC000  }
0x54: {  	_ =	swait.ge [sflag:s16], $0x4000  }
0x55: {  	[sflag:s16] =	ssyncset.done $0x0  }
0x56: {  	[sflag:s16] =	ssyncadd.s32 $0xFFFFC000  }
0x57: {  	_ =	swait.ge [sflag:s16], $0x4000  }
0x58: {  	[sflag:s16] =	ssyncset.done $0x0  }
0x59: {  	[sflag:s16] =	ssyncadd.s32 $0xFFFFC000  }
0x5a: {  	_ =	swait.ge [sflag:s16], $0x4000  }
0x5b: {  	[sflag:s16] =	ssyncset.done $0x0  }
0x5c: {  	[sflag:s16] =	ssyncadd.s32 $0xFFFFC000  }
0x5d: {  	[hbm4b:s17+s2] =	stream.linear.scatter [tilespmem:s12], [sflag:$0x2], $0x4000, $0x38;
	[tilespmem:$0x10200] =	vst v63  }
0x5e: {  	_ =	swait.ge [sflag:s3], $0x4000  }
0x5f: {  	[sflag:s3] =	ssyncset.done $0x0  }
0x60: {  	[sflag:s3] =	ssyncadd.s32 $0xFFFFC000  }
0x61: {  	[hbm4b:s18+s2] =	stream.linear.scatter [tilespmem:s13], [sflag:$0x2], $0x4000, $0x38;
	[tilespmem:$0x10200] =	vst v63  }
0x62: {  	_ =	swait.ge [sflag:s3], $0x4000  }
0x63: {  	[sflag:s3] =	ssyncset.done $0x0  }
0x64: {  	[sflag:s3] =	ssyncadd.s32 $0xFFFFC000  }
0x65: {  	[hbm4b:s19+s2] =	stream.linear.scatter [tilespmem:s14], [sflag:$0x2], $0x4000, $0x38;
	[tilespmem:$0x10200] =	vst v63  }
0x66: {  	_ =	swait.ge [sflag:s3], $0x4000  }
.Ltmp1:
0x67: {  	[sflag:s3] =	ssyncset.done $0x0;
	(pc) =	sbr.rel @p0 .LBB2_1-.Ltmp1, $4  }
0x68: {  	[sflag:s3] =	ssyncadd.s32 $0xFFFFC000  }
0x69: {  	[hbm4b:s20+s2] =	stream.linear.scatter [tilespmem:s15], [sflag:$0x2], $0x4000, $0x38;
	[tilespmem:$0x10200] =	vst v63  }
0x6a: {  	_ =	swait.ge [sflag:s3], $0x4000  }
0x6b: {  	[sflag:s3] =	ssyncset.done $0x0  }
.LBB2_2:
0x6c: {  	[sflag:s3] =	ssyncadd.s32 $0xFFFFC000  }
0x6d: {  	_ =	sfence.sel $0x180000  }
0x6e: {  	[bflag:$0x0] =	sbarrier.arrive $0xFFFF  }
0x6f: {  	p0 =	sne.s32 s0, $0x0;
	_ =	strace $0x9000004A  }
0x70: {  	s0 =	sadd.s32 @!p0 $0x100000, s1;
	[bflag:$0x2] =	sbarrier.arrive $0xFFFF  }
0x71: {  	[sflag:s0] =	ssyncadd.tile.s32 @!p0 $0x1;
	_ =	shalt  }
.Lfunc_end2:
_tile_overlayer_lowered:
.L_overlay_start_2:
0x72: {  	(tag) =	ssettag $0x2  }
0x73: {  	s0 =	rddreg [dreg:$0x0];
	s2 =	stileid.u32  }
0x74: {  	s1 =	rddreg [dreg:$0x1];
	p0 =	sne.s32 s2, $0x0  }
0x75: {  	s3 =	rddreg [dreg:$0x2];
	[bflag:$0x3] =	sbarrier.arrive $0xFFFF;
	s2 =	simm.s32 @!p0 $0x1C02  }
0x76: {  	[timem:s3], [sflag:s2] =	dma.local @!p0 [hbm:s0], s1  }
0x77: {  	s0 =	simm.s32 @!p0 $0x2  }
0x78: {  	_ =	swait.ge @!p0 [sflag:s0], s1  }
0x79: {  	s1 =	ssub.s32 @!p0 $0x0, s1;
	[sflag:s0] =	ssyncset.done @!p0 $0x0  }
0x7a: {  	[sflag:s0] =	ssyncadd.s32 @!p0 s1  }
0x7b: {  	[bflag:$0x3] =	sbarrier.arrive $0xFFFF  }
0x7c: {  	_ =	shalt  }

</sc_bundles>
